<compile_context>
chip_gen: v7x
topology: tpu7x:2x2x1
jax: 0.10.2.dev20260603
libtpu: 0.0.44.dev20260713+nightly
codegen_flags: <defaults>
</compile_context>

<pallas_src>
import functools

import jax
import jax.numpy as jnp
from jax import lax
from jax.experimental import pallas as pl
from jax.experimental.pallas import tpu as pltpu
from jax.experimental.pallas import tpu_sc as plsc

N = 10000
E = 320000
IN_FEATS = 128
N_CLASSES = 16
ALPHA = 0.1
NITER = 10

NP_ = 10240
CH = 128
TILES = 16
CPT = 160
EPT = CPT * CH
NEP = TILES * EPT
RPT = NP_ // 32
RPS = NP_ // TILES
NB = 4
NBATCH = CPT // NB
ZR = 64
MLP_BM = 256
SCALE = 1.0 - ALPHA
SQS = SCALE ** 0.5

_mesh = plsc.VectorSubcoreMesh(core_axis_name="c", subcore_axis_name="s")
_params = pltpu.CompilerParams(use_tc_tiling_on_sc=False)
_out16 = jax.ShapeDtypeStruct((NP_, N_CLASSES), jnp.float32)


def _rsqrt3(x):
    i = lax.bitcast_convert_type(x, jnp.int32)
    i = 0x5F3759DF - lax.shift_right_arithmetic(i, 1)
    y = lax.bitcast_convert_type(i, jnp.float32)
    for _ in range(3):
        y = y * (1.5 - 0.5 * x * y * y)
    return y


@functools.partial(
    pl.kernel,
    out_type=_out16,
    mesh=_mesh,
    scratch_types=[
        pltpu.VMEM_SHARED((NP_, N_CLASSES), jnp.float32),
        pltpu.VMEM_SHARED((NP_, N_CLASSES), jnp.float32),
        pltpu.VMEM((CPT, CH), jnp.int32),
        pltpu.VMEM((CPT, CH), jnp.int32),
        pltpu.VMEM((2 * NB, CH, N_CLASSES), jnp.float32),
        pltpu.VMEM((ZR, N_CLASSES), jnp.float32),
        pltpu.VMEM((RPS, N_CLASSES), jnp.float32),
        pltpu.VMEM((RPS, N_CLASSES), jnp.float32),
        pltpu.VMEM((RPS, N_CLASSES), jnp.float32),
        pltpu.VMEM((RPS, N_CLASSES), jnp.float32),
        pltpu.SemaphoreType.DMA,
        pltpu.SemaphoreType.DMA,
        pltpu.SemaphoreType.DMA,
    ],
    compiler_params=_params,
)
def _power(local_hbm, col_hbm, row_hbm, out_hbm, u_sh, agg_sh, colv, rowv,
           ring, zbuf, agg_v, u_v, d2_v, la_v, semg0, semg1, sems):
    c = lax.axis_index("c")
    s = lax.axis_index("s")
    mine = s * RPS

    pltpu.sync_copy(col_hbm.at[s], colv)
    pltpu.sync_copy(row_hbm.at[s], rowv)
    pltpu.sync_copy(local_hbm.at[pl.ds(mine, RPS)], u_v)

    def zb_fill(i, _):
        zbuf[i] = jnp.zeros((N_CLASSES,), jnp.float32)
        return 0
    lax.fori_loop(0, ZR, zb_fill, 0)

    def one_fill(i, _):
        ring[0, i] = jnp.full((N_CLASSES,), 1.0, jnp.float32)
        return 0
    lax.fori_loop(0, CH, one_fill, 0)

    def _zero_agg():
        def zb(j, _):
            pltpu.sync_copy(zbuf, agg_sh.at[pl.ds(mine + j * ZR, ZR)])
            return 0
        lax.fori_loop(0, RPS // ZR, zb, 0)

    _zero_agg()
    plsc.subcore_barrier()

    def deg_batch(i, _):
        for b in range(NB):
            pltpu.async_copy(ring.at[0], agg_sh.at[rowv.at[i * NB + b]],
                             sems, add=True)

        @pl.when(i >= 1)
        def _():
            for _b in range(NB):
                pltpu.make_async_copy(ring.at[0], agg_sh.at[rowv.at[0]],
                                     sems).wait()
        return 0
    lax.fori_loop(0, NBATCH, deg_batch, 0)
    for _b in range(NB):
        pltpu.make_async_copy(ring.at[0], agg_sh.at[rowv.at[0]], sems).wait()
    plsc.subcore_barrier()

    pltpu.sync_copy(agg_sh.at[pl.ds(mine, RPS)], agg_v)
    _zero_agg()

    def scale_body(r, _):
        deg = agg_v[r] + 1.0
        di = _rsqrt3(deg)
        di = jnp.where(mine + r < N, di, 0.0)
        l = u_v[r]
        u_v[r] = di * l
        la_v[r] = ALPHA * di * l
        d2_v[r] = SCALE * di * di
        return 0
    lax.fori_loop(0, RPS, scale_body, 0)
    pltpu.sync_copy(u_v, u_sh.at[pl.ds(mine, RPS)])
    plsc.subcore_barrier()

    def _fire_gathers(base_k, slot, sem):
        for b in range(NB):
            pltpu.async_copy(u_sh.at[colv.at[base_k + b]],
                             ring.at[slot + b], sem)

    def _drain(n, sem):
        for _b in range(n):
            pltpu.make_async_copy(u_sh.at[colv.at[0]], ring.at[0], sem).wait()

    def one_iter(t, _):
        _fire_gathers(0, 0, semg0)

        def batch(i, _):
            par = i % 2
            h = par * NB
            h2 = NB - h

            @pl.when(i >= 1)
            def _():
                _drain(NB, sems)

            @pl.when((i + 1 < NBATCH) & (par == 0))
            def _():
                _fire_gathers((i + 1) * NB, NB, semg1)

            @pl.when((i + 1 < NBATCH) & (par == 1))
            def _():
                _fire_gathers((i + 1) * NB, 0, semg0)

            @pl.when(par == 0)
            def _():
                _drain(NB, semg0)

            @pl.when(par == 1)
            def _():
                _drain(NB, semg1)

            for b in range(NB):
                pltpu.async_copy(ring.at[h + b],
                                 agg_sh.at[rowv.at[i * NB + b]], sems,
                                 add=True)
            return 0

        lax.fori_loop(0, NBATCH, batch, 0)
        _drain(NB, sems)
        plsc.subcore_barrier()

        pltpu.sync_copy(agg_sh.at[pl.ds(mine, RPS)], agg_v)
        _zero_agg()
        last = t == NITER - 1

        @pl.when(jnp.logical_not(last))
        def _():
            def fin(r, _):
                r4 = r * 4
                for j in range(4):
                    u_v[r4 + j] = (d2_v[r4 + j]
                                   * (agg_v[r4 + j] + u_v[r4 + j])
                                   + la_v[r4 + j])
                return 0
            lax.fori_loop(0, RPS // 4, fin, 0)

        @pl.when(last)
        def _():
            def fin(r, _):
                rs = _rsqrt3(d2_v[r])
                dl = SQS * d2_v[r] * rs
                ll = SQS * la_v[r] * rs
                u_v[r] = dl * (agg_v[r] + u_v[r]) + ll
                return 0
            lax.fori_loop(0, RPS, fin, 0)

        pltpu.sync_copy(u_v, u_sh.at[pl.ds(mine, RPS)])
        plsc.subcore_barrier()
        return 0

    lax.fori_loop(0, NITER, one_iter, 0)

    base = c * (NP_ // 2) + s * RPT
    pltpu.sync_copy(u_sh.at[pl.ds(base, RPT)], agg_v.at[pl.ds(0, RPT)])
    pltpu.sync_copy(agg_v.at[pl.ds(0, RPT)], out_hbm.at[pl.ds(base, RPT)])


def _local_body(x_ref, w1_ref, w2_ref, local_ref):
    h = jnp.tanh(jnp.dot(x_ref[...], w1_ref[...],
                         preferred_element_type=jnp.float32))
    local_ref[...] = jnp.dot(h, w2_ref[...],
                             preferred_element_type=jnp.float32)


_local = pl.pallas_call(
    _local_body,
    grid=(NP_ // MLP_BM,),
    in_specs=[
        pl.BlockSpec((MLP_BM, IN_FEATS), lambda i: (i, 0)),
        pl.BlockSpec((IN_FEATS, 64), lambda i: (0, 0)),
        pl.BlockSpec((64, N_CLASSES), lambda i: (0, 0)),
    ],
    out_specs=pl.BlockSpec((MLP_BM, N_CLASSES), lambda i: (i, 0)),
    out_shape=_out16,
)


def kernel(local_preds, edge_index, W1, W2):
    x = jnp.pad(local_preds, ((0, NP_ - N), (0, 0)))
    pad_idx = jnp.full((NEP - E,), NP_ - 1, jnp.int32)
    row = jnp.concatenate([edge_index[0], pad_idx]).reshape(TILES, CPT, CH)
    col = jnp.concatenate([edge_index[1], pad_idx]).reshape(TILES, CPT, CH)

    local = _local(x, W1, W2)
    preds = _power(local, col, row)
    return preds[:N]

# --- scband reference (transcript-rebuilt; emitter-appended) ---
"""Pipeline reference for scband-pprpower-iteration-17428977287556 (READ-ONLY COPY).

The authoritative reference and input builder live on the scoring server;
editing this copy changes nothing except your own understanding.
"""

import jax, jax.numpy as jnp
import numpy as np

N = 10000
E = 320000
IN_FEATS = 128
N_HIDDEN = 64
N_CLASSES = 16
ALPHA = 0.1
NITER = 10


def setup_inputs(seed: int = 0) -> dict:
    key = jax.random.key(seed)
    k1, k2, k3, k4 = jax.random.split(key, 4)
    local_preds = jax.random.normal(k1, (N, IN_FEATS), dtype=jnp.float32)
    edge_index = jax.random.randint(k2, (2, E), 0, N, dtype=jnp.int32)
    # nn.Linear(in, out, bias=False) weights, stored transposed so y = x @ W
    W1 = jax.random.normal(k3, (IN_FEATS, N_HIDDEN), dtype=jnp.float32) / np.sqrt(IN_FEATS)
    W2 = jax.random.normal(k4, (N_HIDDEN, N_CLASSES), dtype=jnp.float32) / np.sqrt(N_HIDDEN)
    return {"local_preds": local_preds, "edge_index": edge_index, "W1": W1, "W2": W2}


def _build_a_hat(edge_index):
    # calc_A_hat: A_hat = D^{-1/2} (A + I) D^{-1/2}, scaled by (1 - alpha)
    self_loops = jnp.arange(N, dtype=edge_index.dtype)
    row = jnp.concatenate([edge_index[0], self_loops])
    col = jnp.concatenate([edge_index[1], self_loops])
    deg = jax.ops.segment_sum(jnp.ones(row.shape[0], dtype=jnp.float32), row, num_segments=N)
    d_inv_sqrt = jax.lax.rsqrt(jnp.maximum(deg, 1e-12))
    vals = (1.0 - ALPHA) * d_inv_sqrt[row] * d_inv_sqrt[col]
    return row, col, vals


def reference(local_preds, edge_index, W1, W2):
    row, col, vals = _build_a_hat(edge_index)
    # fcs[0]: linear -> tanh (no bns)
    h = jnp.tanh(local_preds @ W1)
    # fcs[1]: final linear (dropout is identity since drop_prob is None)
    local = h @ W2
    preds = local
    for _ in range(NITER):
        msg = vals[:, None] * jnp.take(preds, col, axis=0)
        agg = jax.ops.segment_sum(msg, row, num_segments=N)
        preds = agg + ALPHA * local
    return preds

if __name__ == "__main__":
    import jax
    _d = setup_inputs()
    print(jax.jit(kernel)(*tuple(_d.values())))

</pallas_src>

<mosaic_0001>
#map = affine_map<(d0, d1) -> (0, 0)>
#map1 = affine_map<(d0, d1) -> (0, 0, 0)>
module attributes {stable_mosaic.version = 14 : i64} {
  func.func @_power(%arg0: i32, %arg1: i32, %arg2: memref<10240x16xf32, #tpu.memory_space<hbm>>, %arg3: memref<16x160x128xi32, #tpu.memory_space<hbm>>, %arg4: memref<16x160x128xi32, #tpu.memory_space<hbm>>, %arg5: memref<10240x16xf32, #tpu.memory_space<hbm>>, %arg6: memref<10240x16xf32, #tpu.memory_space<vmem_shared>>, %arg7: memref<10240x16xf32, #tpu.memory_space<vmem_shared>>, %arg8: memref<160x128xi32, #tpu.memory_space<vmem>>, %arg9: memref<160x128xi32, #tpu.memory_space<vmem>>, %arg10: memref<8x128x16xf32, #tpu.memory_space<vmem>>, %arg11: memref<64x16xf32, #tpu.memory_space<vmem>>, %arg12: memref<640x16xf32, #tpu.memory_space<vmem>>, %arg13: memref<640x16xf32, #tpu.memory_space<vmem>>, %arg14: memref<640x16xf32, #tpu.memory_space<vmem>>, %arg15: memref<640x16xf32, #tpu.memory_space<vmem>>, %arg16: memref<!tpu.dma_semaphore, #tpu.memory_space<semaphore_mem>>, %arg17: memref<!tpu.dma_semaphore, #tpu.memory_space<semaphore_mem>>, %arg18: memref<!tpu.dma_semaphore, #tpu.memory_space<semaphore_mem>>) attributes {dimension_semantics = [#tpu.dimension_semantics<core_parallel>, #tpu.dimension_semantics<subcore_parallel>], iteration_bounds = array<i64: 2, 16>, scalar_prefetch = 0 : i64, scratch_operands = 13 : i64, tpu.core_type = #tpu.core_type<sc_vector_subcore>, window_params = [{transform_indices = #map}, {transform_indices = #map1}, {transform_indices = #map1}, {transform_indices = #map}]} {
    %mul3A = arith.constant 640 : i32
    %mul3A_0 = arith.muli %arg1, %mul3A : i32
    "tpu.region"() ({
      %run_scoped3A = tpu.sem_alloc : memref<!tpu.dma_semaphore, #tpu.memory_space<semaphore_mem>>
      %dma_start3A = arith.constant 0 : i32
      %dma_start3A_102 = arith.constant 0 : i32
      %dma_start3A_103 = tpu.memref_slice %arg3[%arg1, %dma_start3A, %dma_start3A_102] : memref<16x160x128xi32, #tpu.memory_space<hbm>> -> memref<1x160x128xi32, #tpu.memory_space<hbm>>
      %dma_start3A_104 = tpu.memref_squeeze %dma_start3A_103 : memref<1x160x128xi32, #tpu.memory_space<hbm>> -> memref<160x128xi32, #tpu.memory_space<hbm>>
      %dma_start3A_105 = arith.constant 0 : i32
      %dma_start3A_106 = arith.constant 0 : i32
      %dma_start3A_107 = tpu.memref_slice %arg3[%arg1, %dma_start3A_105, %dma_start3A_106] : memref<16x160x128xi32, #tpu.memory_space<hbm>> -> memref<1x160x128xi32, #tpu.memory_space<hbm>>
      %dma_start3A_108 = tpu.memref_squeeze %dma_start3A_107 : memref<1x160x128xi32, #tpu.memory_space<hbm>> -> memref<160x128xi32, #tpu.memory_space<hbm>>
      tpu.enqueue_dma source(%dma_start3A_108 : memref<160x128xi32, #tpu.memory_space<hbm>>) target(%arg8 : memref<160x128xi32, #tpu.memory_space<vmem>>) target_semaphore(%run_scoped3A : memref<!tpu.dma_semaphore, #tpu.memory_space<semaphore_mem>>)
      %dma_wait3A_109 = arith.constant 0 : i32
      %dma_wait3A_110 = arith.constant 0 : i32
      %dma_wait3A_111 = tpu.memref_slice %arg3[%arg1, %dma_wait3A_109, %dma_wait3A_110] : memref<16x160x128xi32, #tpu.memory_space<hbm>> -> memref<1x160x128xi32, #tpu.memory_space<hbm>>
      %dma_wait3A_112 = tpu.memref_squeeze %dma_wait3A_111 : memref<1x160x128xi32, #tpu.memory_space<hbm>> -> memref<160x128xi32, #tpu.memory_space<hbm>>
      %dma_wait3A_113 = arith.constant 0 : i32
      %dma_wait3A_114 = arith.constant 0 : i32
      %dma_wait3A_115 = tpu.memref_slice %arg3[%arg1, %dma_wait3A_113, %dma_wait3A_114] : memref<16x160x128xi32, #tpu.memory_space<hbm>> -> memref<1x160x128xi32, #tpu.memory_space<hbm>>
      %dma_wait3A_116 = tpu.memref_squeeze %dma_wait3A_115 : memref<1x160x128xi32, #tpu.memory_space<hbm>> -> memref<160x128xi32, #tpu.memory_space<hbm>>
      tpu.wait_dma2 semaphore(%run_scoped3A : memref<!tpu.dma_semaphore, #tpu.memory_space<semaphore_mem>>) src(%dma_wait3A_116 : memref<160x128xi32, #tpu.memory_space<hbm>>) dst(%arg8 : memref<160x128xi32, #tpu.memory_space<vmem>>)
      tpu.yield
    }) : () -> ()
    "tpu.region"() ({
      %run_scoped3A = tpu.sem_alloc : memref<!tpu.dma_semaphore, #tpu.memory_space<semaphore_mem>>
      %dma_start3A = arith.constant 0 : i32
      %dma_start3A_102 = arith.constant 0 : i32
      %dma_start3A_103 = tpu.memref_slice %arg4[%arg1, %dma_start3A, %dma_start3A_102] : memref<16x160x128xi32, #tpu.memory_space<hbm>> -> memref<1x160x128xi32, #tpu.memory_space<hbm>>
      %dma_start3A_104 = tpu.memref_squeeze %dma_start3A_103 : memref<1x160x128xi32, #tpu.memory_space<hbm>> -> memref<160x128xi32, #tpu.memory_space<hbm>>
      %dma_start3A_105 = arith.constant 0 : i32
      %dma_start3A_106 = arith.constant 0 : i32
      %dma_start3A_107 = tpu.memref_slice %arg4[%arg1, %dma_start3A_105, %dma_start3A_106] : memref<16x160x128xi32, #tpu.memory_space<hbm>> -> memref<1x160x128xi32, #tpu.memory_space<hbm>>
      %dma_start3A_108 = tpu.memref_squeeze %dma_start3A_107 : memref<1x160x128xi32, #tpu.memory_space<hbm>> -> memref<160x128xi32, #tpu.memory_space<hbm>>
      tpu.enqueue_dma source(%dma_start3A_108 : memref<160x128xi32, #tpu.memory_space<hbm>>) target(%arg9 : memref<160x128xi32, #tpu.memory_space<vmem>>) target_semaphore(%run_scoped3A : memref<!tpu.dma_semaphore, #tpu.memory_space<semaphore_mem>>)
      %dma_wait3A_109 = arith.constant 0 : i32
      %dma_wait3A_110 = arith.constant 0 : i32
      %dma_wait3A_111 = tpu.memref_slice %arg4[%arg1, %dma_wait3A_109, %dma_wait3A_110] : memref<16x160x128xi32, #tpu.memory_space<hbm>> -> memref<1x160x128xi32, #tpu.memory_space<hbm>>
      %dma_wait3A_112 = tpu.memref_squeeze %dma_wait3A_111 : memref<1x160x128xi32, #tpu.memory_space<hbm>> -> memref<160x128xi32, #tpu.memory_space<hbm>>
      %dma_wait3A_113 = arith.constant 0 : i32
      %dma_wait3A_114 = arith.constant 0 : i32
      %dma_wait3A_115 = tpu.memref_slice %arg4[%arg1, %dma_wait3A_113, %dma_wait3A_114] : memref<16x160x128xi32, #tpu.memory_space<hbm>> -> memref<1x160x128xi32, #tpu.memory_space<hbm>>
      %dma_wait3A_116 = tpu.memref_squeeze %dma_wait3A_115 : memref<1x160x128xi32, #tpu.memory_space<hbm>> -> memref<160x128xi32, #tpu.memory_space<hbm>>
      tpu.wait_dma2 semaphore(%run_scoped3A : memref<!tpu.dma_semaphore, #tpu.memory_space<semaphore_mem>>) src(%dma_wait3A_116 : memref<160x128xi32, #tpu.memory_space<hbm>>) dst(%arg9 : memref<160x128xi32, #tpu.memory_space<vmem>>)
      tpu.yield
    }) : () -> ()
    "tpu.region"() ({
      %run_scoped3A = tpu.sem_alloc : memref<!tpu.dma_semaphore, #tpu.memory_space<semaphore_mem>>
      %dma_start3A = arith.constant 0 : i32
      %dma_start3A_102 = tpu.memref_slice %arg2[%mul3A_0, %dma_start3A] : memref<10240x16xf32, #tpu.memory_space<hbm>> -> memref<640x16xf32, #tpu.memory_space<hbm>>
      %dma_start3A_103 = arith.constant 0 : i32
      %dma_start3A_104 = tpu.memref_slice %arg2[%mul3A_0, %dma_start3A_103] : memref<10240x16xf32, #tpu.memory_space<hbm>> -> memref<640x16xf32, #tpu.memory_space<hbm>>
      tpu.enqueue_dma source(%dma_start3A_104 : memref<640x16xf32, #tpu.memory_space<hbm>>) target(%arg13 : memref<640x16xf32, #tpu.memory_space<vmem>>) target_semaphore(%run_scoped3A : memref<!tpu.dma_semaphore, #tpu.memory_space<semaphore_mem>>)
      %dma_wait3A_105 = arith.constant 0 : i32
      %dma_wait3A_106 = tpu.memref_slice %arg2[%mul3A_0, %dma_wait3A_105] : memref<10240x16xf32, #tpu.memory_space<hbm>> -> memref<640x16xf32, #tpu.memory_space<hbm>>
      %dma_wait3A_107 = arith.constant 0 : i32
      %dma_wait3A_108 = tpu.memref_slice %arg2[%mul3A_0, %dma_wait3A_107] : memref<10240x16xf32, #tpu.memory_space<hbm>> -> memref<640x16xf32, #tpu.memory_space<hbm>>
      tpu.wait_dma2 semaphore(%run_scoped3A : memref<!tpu.dma_semaphore, #tpu.memory_space<semaphore_mem>>) src(%dma_wait3A_108 : memref<640x16xf32, #tpu.memory_space<hbm>>) dst(%arg13 : memref<640x16xf32, #tpu.memory_space<vmem>>)
      tpu.yield
    }) : () -> ()
    %scan3A = arith.constant 0 : i32
    %scan3A_1 = arith.constant 0 : i32
    %scan3A_2 = arith.constant 64 : i32
    %scan3A_3 = arith.addi %scan3A_1, %scan3A_2 : i32
    %scan3A_4 = arith.constant 1 : i32
    %scan3A_5 = scf.for %scan3A_102 = %scan3A_1 to %scan3A_3 step %scan3A_4 iter_args(%scan3A_103 = %scan3A) -> (i32)  : i32 {
      %broadcast_in_dim3A = arith.constant 0.000000e+00 : f32
      %broadcast_in_dim3A_104 = vector.broadcast %broadcast_in_dim3A : f32 to vector<16xf32>
      %swap3A = arith.index_cast %scan3A_102 : i32 to index
      %swap3A_105 = arith.constant 0 : index
      %swap3A_106 = tpu.vector_load %arg11[%swap3A, %swap3A_105] {strides = array<i32>} : memref<64x16xf32, #tpu.memory_space<vmem>>, vector<1x16xf32>,
      %swap3A_107 = vector.shape_cast %swap3A_106 : vector<1x16xf32> to vector<16xf32>
      %swap3A_108 = vector.shape_cast %broadcast_in_dim3A_104 : vector<16xf32> to vector<1x16xf32>
      tpu.vector_store %arg11[%swap3A, %swap3A_105], %swap3A_108 {strides = array<i32>} : memref<64x16xf32, #tpu.memory_space<vmem>>, vector<1x16xf32>,
      %scan3A_109 = arith.constant 0 : i32
      scf.yield %scan3A_109 : i32
    }
    %scan3A_6 = arith.constant 64 : i32
    %scan3A_7 = arith.constant 0 : i32
    %scan3A_8 = arith.constant 0 : i32
    %scan3A_9 = arith.constant 128 : i32
    %scan3A_10 = arith.addi %scan3A_8, %scan3A_9 : i32
    %scan3A_11 = arith.constant 1 : i32
    %scan3A_12 = scf.for %scan3A_102 = %scan3A_8 to %scan3A_10 step %scan3A_11 iter_args(%scan3A_103 = %scan3A_7) -> (i32)  : i32 {
      %broadcast_in_dim3A = arith.constant 1.000000e+00 : f32
      %broadcast_in_dim3A_104 = vector.broadcast %broadcast_in_dim3A : f32 to vector<16xf32>
      %swap3A = arith.constant 0 : i32
      %swap3A_105 = arith.index_cast %swap3A : i32 to index
      %swap3A_106 = arith.index_cast %scan3A_102 : i32 to index
      %swap3A_107 = arith.constant 0 : index
      %swap3A_108 = tpu.vector_load %arg10[%swap3A_105, %swap3A_106, %swap3A_107] {strides = array<i32>} : memref<8x128x16xf32, #tpu.memory_space<vmem>>, vector<1x1x16xf32>,
      %swap3A_109 = vector.shape_cast %swap3A_108 : vector<1x1x16xf32> to vector<16xf32>
      %swap3A_110 = vector.shape_cast %broadcast_in_dim3A_104 : vector<16xf32> to vector<1x1x16xf32>
      tpu.vector_store %arg10[%swap3A_105, %swap3A_106, %swap3A_107], %swap3A_110 {strides = array<i32>} : memref<8x128x16xf32, #tpu.memory_space<vmem>>, vector<1x1x16xf32>,
      %scan3A_111 = arith.constant 0 : i32
      scf.yield %scan3A_111 : i32
    }
    %scan3A_13 = arith.constant 128 : i32
    %scan3A_14 = arith.constant 0 : i32
    %scan3A_15 = arith.constant 0 : i32
    %scan3A_16 = arith.constant 10 : i32
    %scan3A_17 = arith.addi %scan3A_15, %scan3A_16 : i32
    %scan3A_18 = arith.constant 1 : i32
    %scan3A_19 = scf.for %scan3A_102 = %scan3A_15 to %scan3A_17 step %scan3A_18 iter_args(%scan3A_103 = %scan3A_14) -> (i32)  : i32 {
      %mul3A_104 = arith.constant 64 : i32
      %mul3A_105 = arith.muli %scan3A_102, %mul3A_104 : i32
      %add3A_106 = arith.addi %mul3A_0, %mul3A_105 : i32
      "tpu.region"() ({
        %run_scoped3A = tpu.sem_alloc : memref<!tpu.dma_semaphore, #tpu.memory_space<semaphore_mem>>
        %dma_start3A = arith.constant 0 : i32
        %dma_start3A_108 = tpu.memref_slice %arg7[%add3A_106, %dma_start3A] : memref<10240x16xf32, #tpu.memory_space<vmem_shared>> -> memref<64x16xf32, #tpu.memory_space<vmem_shared>>
        %dma_start3A_109 = arith.constant 0 : i32
        %dma_start3A_110 = tpu.memref_slice %arg7[%add3A_106, %dma_start3A_109] : memref<10240x16xf32, #tpu.memory_space<vmem_shared>> -> memref<64x16xf32, #tpu.memory_space<vmem_shared>>
        tpu.enqueue_dma source(%arg11 : memref<64x16xf32, #tpu.memory_space<vmem>>) target(%dma_start3A_110 : memref<64x16xf32, #tpu.memory_space<vmem_shared>>) target_semaphore(%run_scoped3A : memref<!tpu.dma_semaphore, #tpu.memory_space<semaphore_mem>>)
        %dma_wait3A_111 = arith.constant 0 : i32
        %dma_wait3A_112 = tpu.memref_slice %arg7[%add3A_106, %dma_wait3A_111] : memref<10240x16xf32, #tpu.memory_space<vmem_shared>> -> memref<64x16xf32, #tpu.memory_space<vmem_shared>>
        %dma_wait3A_113 = arith.constant 0 : i32
        %dma_wait3A_114 = tpu.memref_slice %arg7[%add3A_106, %dma_wait3A_113] : memref<10240x16xf32, #tpu.memory_space<vmem_shared>> -> memref<64x16xf32, #tpu.memory_space<vmem_shared>>
        tpu.wait_dma2 semaphore(%run_scoped3A : memref<!tpu.dma_semaphore, #tpu.memory_space<semaphore_mem>>) src(%arg11 : memref<64x16xf32, #tpu.memory_space<vmem>>) dst(%dma_wait3A_114 : memref<64x16xf32, #tpu.memory_space<vmem_shared>>)
        tpu.yield
      }) : () -> ()
      %scan3A_107 = arith.constant 0 : i32
      scf.yield %scan3A_107 : i32
    }
    %scan3A_20 = arith.constant 10 : i32
    %barrier3A = arith.constant 0 : index
    tpu.barrier barrier_id(%barrier3A)
    %scan3A_21 = arith.constant 0 : i32
    %scan3A_22 = arith.constant 0 : i32
    %scan3A_23 = arith.constant 40 : i32
    %scan3A_24 = arith.addi %scan3A_22, %scan3A_23 : i32
    %scan3A_25 = arith.constant 1 : i32
    %scan3A_26 = scf.for %scan3A_102 = %scan3A_22 to %scan3A_24 step %scan3A_25 iter_args(%scan3A_103 = %scan3A_21) -> (i32)  : i32 {
      %mul3A_104 = arith.constant 4 : i32
      %mul3A_105 = arith.muli %scan3A_102, %mul3A_104 : i32
      %add3A_106 = arith.constant 0 : i32
      %add3A_107 = arith.addi %mul3A_105, %add3A_106 : i32
      %dma_start3A = arith.constant 0 : i32
      %dma_start3A_108 = arith.constant 0 : i32
      %dma_start3A_109 = arith.constant 0 : i32
      %dma_start3A_110 = tpu.memref_slice %arg10[%dma_start3A, %dma_start3A_108, %dma_start3A_109] : memref<8x128x16xf32, #tpu.memory_space<vmem>> -> memref<1x128x16xf32, #tpu.memory_space<vmem>>
      %dma_start3A_111 = tpu.memref_squeeze %dma_start3A_110 : memref<1x128x16xf32, #tpu.memory_space<vmem>> -> memref<128x16xf32, #tpu.memory_space<vmem>>
      %dma_start3A_112 = arith.constant 0 : i32
      %dma_start3A_113 = tpu.memref_slice %arg9[%add3A_107, %dma_start3A_112] : memref<160x128xi32, #tpu.memory_space<vmem>> -> memref<1x128xi32, #tpu.memory_space<vmem>>
      %dma_start3A_114 = tpu.memref_squeeze %dma_start3A_113 : memref<1x128xi32, #tpu.memory_space<vmem>> -> memref<128xi32, #tpu.memory_space<vmem>>
      %dma_start3A_115 = arith.constant 0 : i32
      %dma_start3A_116 = arith.constant 0 : i32
      %dma_start3A_117 = tpu.memref_slice %arg7[%dma_start3A_115, %dma_start3A_116] : memref<10240x16xf32, #tpu.memory_space<vmem_shared>> -> memref<10240x16xf32, #tpu.memory_space<vmem_shared>>
      tpu.enqueue_indirect_dma source(%dma_start3A_111 : memref<128x16xf32, #tpu.memory_space<vmem>>) target(%dma_start3A_117 : memref<10240x16xf32, #tpu.memory_space<vmem_shared>>) offsets(%dma_start3A_114 : memref<128xi32, #tpu.memory_space<vmem>>) semaphore(%arg18 : memref<!tpu.dma_semaphore, #tpu.memory_space<semaphore_mem>>) {add = true}
      %mul3A_118 = arith.constant 4 : i32
      %mul3A_119 = arith.muli %scan3A_102, %mul3A_118 : i32
      %add3A_120 = arith.constant 1 : i32
      %add3A_121 = arith.addi %mul3A_119, %add3A_120 : i32
      %dma_start3A_122 = arith.constant 0 : i32
      %dma_start3A_123 = arith.constant 0 : i32
      %dma_start3A_124 = arith.constant 0 : i32
      %dma_start3A_125 = tpu.memref_slice %arg10[%dma_start3A_122, %dma_start3A_123, %dma_start3A_124] : memref<8x128x16xf32, #tpu.memory_space<vmem>> -> memref<1x128x16xf32, #tpu.memory_space<vmem>>
      %dma_start3A_126 = tpu.memref_squeeze %dma_start3A_125 : memref<1x128x16xf32, #tpu.memory_space<vmem>> -> memref<128x16xf32, #tpu.memory_space<vmem>>
      %dma_start3A_127 = arith.constant 0 : i32
      %dma_start3A_128 = tpu.memref_slice %arg9[%add3A_121, %dma_start3A_127] : memref<160x128xi32, #tpu.memory_space<vmem>> -> memref<1x128xi32, #tpu.memory_space<vmem>>
      %dma_start3A_129 = tpu.memref_squeeze %dma_start3A_128 : memref<1x128xi32, #tpu.memory_space<vmem>> -> memref<128xi32, #tpu.memory_space<vmem>>
      %dma_start3A_130 = arith.constant 0 : i32
      %dma_start3A_131 = arith.constant 0 : i32
      %dma_start3A_132 = tpu.memref_slice %arg7[%dma_start3A_130, %dma_start3A_131] : memref<10240x16xf32, #tpu.memory_space<vmem_shared>> -> memref<10240x16xf32, #tpu.memory_space<vmem_shared>>
      tpu.enqueue_indirect_dma source(%dma_start3A_126 : memref<128x16xf32, #tpu.memory_space<vmem>>) target(%dma_start3A_132 : memref<10240x16xf32, #tpu.memory_space<vmem_shared>>) offsets(%dma_start3A_129 : memref<128xi32, #tpu.memory_space<vmem>>) semaphore(%arg18 : memref<!tpu.dma_semaphore, #tpu.memory_space<semaphore_mem>>) {add = true}
      %mul3A_133 = arith.constant 4 : i32
      %mul3A_134 = arith.muli %scan3A_102, %mul3A_133 : i32
      %add3A_135 = arith.constant 2 : i32
      %add3A_136 = arith.addi %mul3A_134, %add3A_135 : i32
      %dma_start3A_137 = arith.constant 0 : i32
      %dma_start3A_138 = arith.constant 0 : i32
      %dma_start3A_139 = arith.constant 0 : i32
      %dma_start3A_140 = tpu.memref_slice %arg10[%dma_start3A_137, %dma_start3A_138, %dma_start3A_139] : memref<8x128x16xf32, #tpu.memory_space<vmem>> -> memref<1x128x16xf32, #tpu.memory_space<vmem>>
      %dma_start3A_141 = tpu.memref_squeeze %dma_start3A_140 : memref<1x128x16xf32, #tpu.memory_space<vmem>> -> memref<128x16xf32, #tpu.memory_space<vmem>>
      %dma_start3A_142 = arith.constant 0 : i32
      %dma_start3A_143 = tpu.memref_slice %arg9[%add3A_136, %dma_start3A_142] : memref<160x128xi32, #tpu.memory_space<vmem>> -> memref<1x128xi32, #tpu.memory_space<vmem>>
      %dma_start3A_144 = tpu.memref_squeeze %dma_start3A_143 : memref<1x128xi32, #tpu.memory_space<vmem>> -> memref<128xi32, #tpu.memory_space<vmem>>
      %dma_start3A_145 = arith.constant 0 : i32
      %dma_start3A_146 = arith.constant 0 : i32
      %dma_start3A_147 = tpu.memref_slice %arg7[%dma_start3A_145, %dma_start3A_146] : memref<10240x16xf32, #tpu.memory_space<vmem_shared>> -> memref<10240x16xf32, #tpu.memory_space<vmem_shared>>
      tpu.enqueue_indirect_dma source(%dma_start3A_141 : memref<128x16xf32, #tpu.memory_space<vmem>>) target(%dma_start3A_147 : memref<10240x16xf32, #tpu.memory_space<vmem_shared>>) offsets(%dma_start3A_144 : memref<128xi32, #tpu.memory_space<vmem>>) semaphore(%arg18 : memref<!tpu.dma_semaphore, #tpu.memory_space<semaphore_mem>>) {add = true}
      %mul3A_148 = arith.constant 4 : i32
      %mul3A_149 = arith.muli %scan3A_102, %mul3A_148 : i32
      %add3A_150 = arith.constant 3 : i32
      %add3A_151 = arith.addi %mul3A_149, %add3A_150 : i32
      %dma_start3A_152 = arith.constant 0 : i32
      %dma_start3A_153 = arith.constant 0 : i32
      %dma_start3A_154 = arith.constant 0 : i32
      %dma_start3A_155 = tpu.memref_slice %arg10[%dma_start3A_152, %dma_start3A_153, %dma_start3A_154] : memref<8x128x16xf32, #tpu.memory_space<vmem>> -> memref<1x128x16xf32, #tpu.memory_space<vmem>>
      %dma_start3A_156 = tpu.memref_squeeze %dma_start3A_155 : memref<1x128x16xf32, #tpu.memory_space<vmem>> -> memref<128x16xf32, #tpu.memory_space<vmem>>
      %dma_start3A_157 = arith.constant 0 : i32
      %dma_start3A_158 = tpu.memref_slice %arg9[%add3A_151, %dma_start3A_157] : memref<160x128xi32, #tpu.memory_space<vmem>> -> memref<1x128xi32, #tpu.memory_space<vmem>>
      %dma_start3A_159 = tpu.memref_squeeze %dma_start3A_158 : memref<1x128xi32, #tpu.memory_space<vmem>> -> memref<128xi32, #tpu.memory_space<vmem>>
      %dma_start3A_160 = arith.constant 0 : i32
      %dma_start3A_161 = arith.constant 0 : i32
      %dma_start3A_162 = tpu.memref_slice %arg7[%dma_start3A_160, %dma_start3A_161] : memref<10240x16xf32, #tpu.memory_space<vmem_shared>> -> memref<10240x16xf32, #tpu.memory_space<vmem_shared>>
      tpu.enqueue_indirect_dma source(%dma_start3A_156 : memref<128x16xf32, #tpu.memory_space<vmem>>) target(%dma_start3A_162 : memref<10240x16xf32, #tpu.memory_space<vmem_shared>>) offsets(%dma_start3A_159 : memref<128xi32, #tpu.memory_space<vmem>>) semaphore(%arg18 : memref<!tpu.dma_semaphore, #tpu.memory_space<semaphore_mem>>) {add = true}
      %ge3A = arith.constant 1 : i32
      %ge3A_163 = arith.cmpi sge, %scan3A_102, %ge3A : i32
      %convert_element_type3A = arith.extui %ge3A_163 : i1 to i32
      %cond3A = arith.constant 0 : i32
      %cond3A_164 = arith.cmpi ne, %convert_element_type3A, %cond3A : i32
      scf.if %cond3A_164 {
        %dma_wait3A_166 = arith.constant 0 : i32
        %dma_wait3A_167 = arith.constant 0 : i32
        %dma_wait3A_168 = arith.constant 0 : i32
        %dma_wait3A_169 = arith.constant 0 : i32
        %dma_wait3A_170 = tpu.memref_slice %arg10[%dma_wait3A_166, %dma_wait3A_168, %dma_wait3A_169] : memref<8x128x16xf32, #tpu.memory_space<vmem>> -> memref<1x128x16xf32, #tpu.memory_space<vmem>>
        %dma_wait3A_171 = tpu.memref_squeeze %dma_wait3A_170 : memref<1x128x16xf32, #tpu.memory_space<vmem>> -> memref<128x16xf32, #tpu.memory_space<vmem>>
        %dma_wait3A_172 = arith.constant 0 : i32
        %dma_wait3A_173 = tpu.memref_slice %arg9[%dma_wait3A_167, %dma_wait3A_172] : memref<160x128xi32, #tpu.memory_space<vmem>> -> memref<1x128xi32, #tpu.memory_space<vmem>>
        %dma_wait3A_174 = tpu.memref_squeeze %dma_wait3A_173 : memref<1x128xi32, #tpu.memory_space<vmem>> -> memref<128xi32, #tpu.memory_space<vmem>>
        %dma_wait3A_175 = arith.constant 0 : i32
        %dma_wait3A_176 = arith.constant 0 : i32
        %dma_wait3A_177 = tpu.memref_slice %arg7[%dma_wait3A_175, %dma_wait3A_176] : memref<10240x16xf32, #tpu.memory_space<vmem_shared>> -> memref<10240x16xf32, #tpu.memory_space<vmem_shared>>
        tpu.wait_indirect_dma semaphore(%arg18 : memref<!tpu.dma_semaphore, #tpu.memory_space<semaphore_mem>>) src(%dma_wait3A_171 : memref<128x16xf32, #tpu.memory_space<vmem>>) dst(%dma_wait3A_177 : memref<10240x16xf32, #tpu.memory_space<vmem_shared>>)
        %dma_wait3A_178 = arith.constant 0 : i32
        %dma_wait3A_179 = arith.constant 0 : i32
        %dma_wait3A_180 = arith.constant 0 : i32
        %dma_wait3A_181 = arith.constant 0 : i32
        %dma_wait3A_182 = tpu.memref_slice %arg10[%dma_wait3A_178, %dma_wait3A_180, %dma_wait3A_181] : memref<8x128x16xf32, #tpu.memory_space<vmem>> -> memref<1x128x16xf32, #tpu.memory_space<vmem>>
        %dma_wait3A_183 = tpu.memref_squeeze %dma_wait3A_182 : memref<1x128x16xf32, #tpu.memory_space<vmem>> -> memref<128x16xf32, #tpu.memory_space<vmem>>
        %dma_wait3A_184 = arith.constant 0 : i32
        %dma_wait3A_185 = tpu.memref_slice %arg9[%dma_wait3A_179, %dma_wait3A_184] : memref<160x128xi32, #tpu.memory_space<vmem>> -> memref<1x128xi32, #tpu.memory_space<vmem>>
        %dma_wait3A_186 = tpu.memref_squeeze %dma_wait3A_185 : memref<1x128xi32, #tpu.memory_space<vmem>> -> memref<128xi32, #tpu.memory_space<vmem>>
        %dma_wait3A_187 = arith.constant 0 : i32
        %dma_wait3A_188 = arith.constant 0 : i32
        %dma_wait3A_189 = tpu.memref_slice %arg7[%dma_wait3A_187, %dma_wait3A_188] : memref<10240x16xf32, #tpu.memory_space<vmem_shared>> -> memref<10240x16xf32, #tpu.memory_space<vmem_shared>>
        tpu.wait_indirect_dma semaphore(%arg18 : memref<!tpu.dma_semaphore, #tpu.memory_space<semaphore_mem>>) src(%dma_wait3A_183 : memref<128x16xf32, #tpu.memory_space<vmem>>) dst(%dma_wait3A_189 : memref<10240x16xf32, #tpu.memory_space<vmem_shared>>)
        %dma_wait3A_190 = arith.constant 0 : i32
        %dma_wait3A_191 = arith.constant 0 : i32
        %dma_wait3A_192 = arith.constant 0 : i32
        %dma_wait3A_193 = arith.constant 0 : i32
        %dma_wait3A_194 = tpu.memref_slice %arg10[%dma_wait3A_190, %dma_wait3A_192, %dma_wait3A_193] : memref<8x128x16xf32, #tpu.memory_space<vmem>> -> memref<1x128x16xf32, #tpu.memory_space<vmem>>
        %dma_wait3A_195 = tpu.memref_squeeze %dma_wait3A_194 : memref<1x128x16xf32, #tpu.memory_space<vmem>> -> memref<128x16xf32, #tpu.memory_space<vmem>>
        %dma_wait3A_196 = arith.constant 0 : i32
        %dma_wait3A_197 = tpu.memref_slice %arg9[%dma_wait3A_191, %dma_wait3A_196] : memref<160x128xi32, #tpu.memory_space<vmem>> -> memref<1x128xi32, #tpu.memory_space<vmem>>
        %dma_wait3A_198 = tpu.memref_squeeze %dma_wait3A_197 : memref<1x128xi32, #tpu.memory_space<vmem>> -> memref<128xi32, #tpu.memory_space<vmem>>
        %dma_wait3A_199 = arith.constant 0 : i32
        %dma_wait3A_200 = arith.constant 0 : i32
        %dma_wait3A_201 = tpu.memref_slice %arg7[%dma_wait3A_199, %dma_wait3A_200] : memref<10240x16xf32, #tpu.memory_space<vmem_shared>> -> memref<10240x16xf32, #tpu.memory_space<vmem_shared>>
        tpu.wait_indirect_dma semaphore(%arg18 : memref<!tpu.dma_semaphore, #tpu.memory_space<semaphore_mem>>) src(%dma_wait3A_195 : memref<128x16xf32, #tpu.memory_space<vmem>>) dst(%dma_wait3A_201 : memref<10240x16xf32, #tpu.memory_space<vmem_shared>>)
        %dma_wait3A_202 = arith.constant 0 : i32
        %dma_wait3A_203 = arith.constant 0 : i32
        %dma_wait3A_204 = arith.constant 0 : i32
        %dma_wait3A_205 = arith.constant 0 : i32
        %dma_wait3A_206 = tpu.memref_slice %arg10[%dma_wait3A_202, %dma_wait3A_204, %dma_wait3A_205] : memref<8x128x16xf32, #tpu.memory_space<vmem>> -> memref<1x128x16xf32, #tpu.memory_space<vmem>>
        %dma_wait3A_207 = tpu.memref_squeeze %dma_wait3A_206 : memref<1x128x16xf32, #tpu.memory_space<vmem>> -> memref<128x16xf32, #tpu.memory_space<vmem>>
        %dma_wait3A_208 = arith.constant 0 : i32
        %dma_wait3A_209 = tpu.memref_slice %arg9[%dma_wait3A_203, %dma_wait3A_208] : memref<160x128xi32, #tpu.memory_space<vmem>> -> memref<1x128xi32, #tpu.memory_space<vmem>>
        %dma_wait3A_210 = tpu.memref_squeeze %dma_wait3A_209 : memref<1x128xi32, #tpu.memory_space<vmem>> -> memref<128xi32, #tpu.memory_space<vmem>>
        %dma_wait3A_211 = arith.constant 0 : i32
        %dma_wait3A_212 = arith.constant 0 : i32
        %dma_wait3A_213 = tpu.memref_slice %arg7[%dma_wait3A_211, %dma_wait3A_212] : memref<10240x16xf32, #tpu.memory_space<vmem_shared>> -> memref<10240x16xf32, #tpu.memory_space<vmem_shared>>
        tpu.wait_indirect_dma semaphore(%arg18 : memref<!tpu.dma_semaphore, #tpu.memory_space<semaphore_mem>>) src(%dma_wait3A_207 : memref<128x16xf32, #tpu.memory_space<vmem>>) dst(%dma_wait3A_213 : memref<10240x16xf32, #tpu.memory_space<vmem_shared>>)
      } else {
      }
      %scan3A_165 = arith.constant 0 : i32
      scf.yield %scan3A_165 : i32
    }
    %scan3A_27 = arith.constant 40 : i32
    %dma_wait3A = arith.constant 0 : i32
    %dma_wait3A_28 = arith.constant 0 : i32
    %dma_wait3A_29 = arith.constant 0 : i32
    %dma_wait3A_30 = arith.constant 0 : i32
    %dma_wait3A_31 = tpu.memref_slice %arg10[%dma_wait3A, %dma_wait3A_29, %dma_wait3A_30] : memref<8x128x16xf32, #tpu.memory_space<vmem>> -> memref<1x128x16xf32, #tpu.memory_space<vmem>>
    %dma_wait3A_32 = tpu.memref_squeeze %dma_wait3A_31 : memref<1x128x16xf32, #tpu.memory_space<vmem>> -> memref<128x16xf32, #tpu.memory_space<vmem>>
    %dma_wait3A_33 = arith.constant 0 : i32
    %dma_wait3A_34 = tpu.memref_slice %arg9[%dma_wait3A_28, %dma_wait3A_33] : memref<160x128xi32, #tpu.memory_space<vmem>> -> memref<1x128xi32, #tpu.memory_space<vmem>>
    %dma_wait3A_35 = tpu.memref_squeeze %dma_wait3A_34 : memref<1x128xi32, #tpu.memory_space<vmem>> -> memref<128xi32, #tpu.memory_space<vmem>>
    %dma_wait3A_36 = arith.constant 0 : i32
    %dma_wait3A_37 = arith.constant 0 : i32
    %dma_wait3A_38 = tpu.memref_slice %arg7[%dma_wait3A_36, %dma_wait3A_37] : memref<10240x16xf32, #tpu.memory_space<vmem_shared>> -> memref<10240x16xf32, #tpu.memory_space<vmem_shared>>
    tpu.wait_indirect_dma semaphore(%arg18 : memref<!tpu.dma_semaphore, #tpu.memory_space<semaphore_mem>>) src(%dma_wait3A_32 : memref<128x16xf32, #tpu.memory_space<vmem>>) dst(%dma_wait3A_38 : memref<10240x16xf32, #tpu.memory_space<vmem_shared>>)
    %dma_wait3A_39 = arith.constant 0 : i32
    %dma_wait3A_40 = arith.constant 0 : i32
    %dma_wait3A_41 = arith.constant 0 : i32
    %dma_wait3A_42 = arith.constant 0 : i32
    %dma_wait3A_43 = tpu.memref_slice %arg10[%dma_wait3A_39, %dma_wait3A_41, %dma_wait3A_42] : memref<8x128x16xf32, #tpu.memory_space<vmem>> -> memref<1x128x16xf32, #tpu.memory_space<vmem>>
    %dma_wait3A_44 = tpu.memref_squeeze %dma_wait3A_43 : memref<1x128x16xf32, #tpu.memory_space<vmem>> -> memref<128x16xf32, #tpu.memory_space<vmem>>
    %dma_wait3A_45 = arith.constant 0 : i32
    %dma_wait3A_46 = tpu.memref_slice %arg9[%dma_wait3A_40, %dma_wait3A_45] : memref<160x128xi32, #tpu.memory_space<vmem>> -> memref<1x128xi32, #tpu.memory_space<vmem>>
    %dma_wait3A_47 = tpu.memref_squeeze %dma_wait3A_46 : memref<1x128xi32, #tpu.memory_space<vmem>> -> memref<128xi32, #tpu.memory_space<vmem>>
    %dma_wait3A_48 = arith.constant 0 : i32
    %dma_wait3A_49 = arith.constant 0 : i32
    %dma_wait3A_50 = tpu.memref_slice %arg7[%dma_wait3A_48, %dma_wait3A_49] : memref<10240x16xf32, #tpu.memory_space<vmem_shared>> -> memref<10240x16xf32, #tpu.memory_space<vmem_shared>>
    tpu.wait_indirect_dma semaphore(%arg18 : memref<!tpu.dma_semaphore, #tpu.memory_space<semaphore_mem>>) src(%dma_wait3A_44 : memref<128x16xf32, #tpu.memory_space<vmem>>) dst(%dma_wait3A_50 : memref<10240x16xf32, #tpu.memory_space<vmem_shared>>)
    %dma_wait3A_51 = arith.constant 0 : i32
    %dma_wait3A_52 = arith.constant 0 : i32
    %dma_wait3A_53 = arith.constant 0 : i32
    %dma_wait3A_54 = arith.constant 0 : i32
    %dma_wait3A_55 = tpu.memref_slice %arg10[%dma_wait3A_51, %dma_wait3A_53, %dma_wait3A_54] : memref<8x128x16xf32, #tpu.memory_space<vmem>> -> memref<1x128x16xf32, #tpu.memory_space<vmem>>
    %dma_wait3A_56 = tpu.memref_squeeze %dma_wait3A_55 : memref<1x128x16xf32, #tpu.memory_space<vmem>> -> memref<128x16xf32, #tpu.memory_space<vmem>>
    %dma_wait3A_57 = arith.constant 0 : i32
    %dma_wait3A_58 = tpu.memref_slice %arg9[%dma_wait3A_52, %dma_wait3A_57] : memref<160x128xi32, #tpu.memory_space<vmem>> -> memref<1x128xi32, #tpu.memory_space<vmem>>
    %dma_wait3A_59 = tpu.memref_squeeze %dma_wait3A_58 : memref<1x128xi32, #tpu.memory_space<vmem>> -> memref<128xi32, #tpu.memory_space<vmem>>
    %dma_wait3A_60 = arith.constant 0 : i32
    %dma_wait3A_61 = arith.constant 0 : i32
    %dma_wait3A_62 = tpu.memref_slice %arg7[%dma_wait3A_60, %dma_wait3A_61] : memref<10240x16xf32, #tpu.memory_space<vmem_shared>> -> memref<10240x16xf32, #tpu.memory_space<vmem_shared>>
    tpu.wait_indirect_dma semaphore(%arg18 : memref<!tpu.dma_semaphore, #tpu.memory_space<semaphore_mem>>) src(%dma_wait3A_56 : memref<128x16xf32, #tpu.memory_space<vmem>>) dst(%dma_wait3A_62 : memref<10240x16xf32, #tpu.memory_space<vmem_shared>>)
    %dma_wait3A_63 = arith.constant 0 : i32
    %dma_wait3A_64 = arith.constant 0 : i32
    %dma_wait3A_65 = arith.constant 0 : i32
    %dma_wait3A_66 = arith.constant 0 : i32
    %dma_wait3A_67 = tpu.memref_slice %arg10[%dma_wait3A_63, %dma_wait3A_65, %dma_wait3A_66] : memref<8x128x16xf32, #tpu.memory_space<vmem>> -> memref<1x128x16xf32, #tpu.memory_space<vmem>>
    %dma_wait3A_68 = tpu.memref_squeeze %dma_wait3A_67 : memref<1x128x16xf32, #tpu.memory_space<vmem>> -> memref<128x16xf32, #tpu.memory_space<vmem>>
    %dma_wait3A_69 = arith.constant 0 : i32
    %dma_wait3A_70 = tpu.memref_slice %arg9[%dma_wait3A_64, %dma_wait3A_69] : memref<160x128xi32, #tpu.memory_space<vmem>> -> memref<1x128xi32, #tpu.memory_space<vmem>>
    %dma_wait3A_71 = tpu.memref_squeeze %dma_wait3A_70 : memref<1x128xi32, #tpu.memory_space<vmem>> -> memref<128xi32, #tpu.memory_space<vmem>>
    %dma_wait3A_72 = arith.constant 0 : i32
    %dma_wait3A_73 = arith.constant 0 : i32
    %dma_wait3A_74 = tpu.memref_slice %arg7[%dma_wait3A_72, %dma_wait3A_73] : memref<10240x16xf32, #tpu.memory_space<vmem_shared>> -> memref<10240x16xf32, #tpu.memory_space<vmem_shared>>
    tpu.wait_indirect_dma semaphore(%arg18 : memref<!tpu.dma_semaphore, #tpu.memory_space<semaphore_mem>>) src(%dma_wait3A_68 : memref<128x16xf32, #tpu.memory_space<vmem>>) dst(%dma_wait3A_74 : memref<10240x16xf32, #tpu.memory_space<vmem_shared>>)
    %barrier3A_75 = arith.constant 0 : index
    tpu.barrier barrier_id(%barrier3A_75)
    "tpu.region"() ({
      %run_scoped3A = tpu.sem_alloc : memref<!tpu.dma_semaphore, #tpu.memory_space<semaphore_mem>>
      %dma_start3A = arith.constant 0 : i32
      %dma_start3A_102 = tpu.memref_slice %arg7[%mul3A_0, %dma_start3A] : memref<10240x16xf32, #tpu.memory_space<vmem_shared>> -> memref<640x16xf32, #tpu.memory_space<vmem_shared>>
      %dma_start3A_103 = arith.constant 0 : i32
      %dma_start3A_104 = tpu.memref_slice %arg7[%mul3A_0, %dma_start3A_103] : memref<10240x16xf32, #tpu.memory_space<vmem_shared>> -> memref<640x16xf32, #tpu.memory_space<vmem_shared>>
      tpu.enqueue_dma source(%dma_start3A_104 : memref<640x16xf32, #tpu.memory_space<vmem_shared>>) target(%arg12 : memref<640x16xf32, #tpu.memory_space<vmem>>) target_semaphore(%run_scoped3A : memref<!tpu.dma_semaphore, #tpu.memory_space<semaphore_mem>>)
      %dma_wait3A_105 = arith.constant 0 : i32
      %dma_wait3A_106 = tpu.memref_slice %arg7[%mul3A_0, %dma_wait3A_105] : memref<10240x16xf32, #tpu.memory_space<vmem_shared>> -> memref<640x16xf32, #tpu.memory_space<vmem_shared>>
      %dma_wait3A_107 = arith.constant 0 : i32
      %dma_wait3A_108 = tpu.memref_slice %arg7[%mul3A_0, %dma_wait3A_107] : memref<10240x16xf32, #tpu.memory_space<vmem_shared>> -> memref<640x16xf32, #tpu.memory_space<vmem_shared>>
      tpu.wait_dma2 semaphore(%run_scoped3A : memref<!tpu.dma_semaphore, #tpu.memory_space<semaphore_mem>>) src(%dma_wait3A_108 : memref<640x16xf32, #tpu.memory_space<vmem_shared>>) dst(%arg12 : memref<640x16xf32, #tpu.memory_space<vmem>>)
      tpu.yield
    }) : () -> ()
    %scan3A_76 = arith.constant 0 : i32
    %scan3A_77 = arith.constant 0 : i32
    %scan3A_78 = arith.constant 10 : i32
    %scan3A_79 = arith.addi %scan3A_77, %scan3A_78 : i32
    %scan3A_80 = arith.constant 1 : i32
    %scan3A_81 = scf.for %scan3A_102 = %scan3A_77 to %scan3A_79 step %scan3A_80 iter_args(%scan3A_103 = %scan3A_76) -> (i32)  : i32 {
      %mul3A_104 = arith.constant 64 : i32
      %mul3A_105 = arith.muli %scan3A_102, %mul3A_104 : i32
      %add3A_106 = arith.addi %mul3A_0, %mul3A_105 : i32
      "tpu.region"() ({
        %run_scoped3A = tpu.sem_alloc : memref<!tpu.dma_semaphore, #tpu.memory_space<semaphore_mem>>
        %dma_start3A = arith.constant 0 : i32
        %dma_start3A_108 = tpu.memref_slice %arg7[%add3A_106, %dma_start3A] : memref<10240x16xf32, #tpu.memory_space<vmem_shared>> -> memref<64x16xf32, #tpu.memory_space<vmem_shared>>
        %dma_start3A_109 = arith.constant 0 : i32
        %dma_start3A_110 = tpu.memref_slice %arg7[%add3A_106, %dma_start3A_109] : memref<10240x16xf32, #tpu.memory_space<vmem_shared>> -> memref<64x16xf32, #tpu.memory_space<vmem_shared>>
        tpu.enqueue_dma source(%arg11 : memref<64x16xf32, #tpu.memory_space<vmem>>) target(%dma_start3A_110 : memref<64x16xf32, #tpu.memory_space<vmem_shared>>) target_semaphore(%run_scoped3A : memref<!tpu.dma_semaphore, #tpu.memory_space<semaphore_mem>>)
        %dma_wait3A_111 = arith.constant 0 : i32
        %dma_wait3A_112 = tpu.memref_slice %arg7[%add3A_106, %dma_wait3A_111] : memref<10240x16xf32, #tpu.memory_space<vmem_shared>> -> memref<64x16xf32, #tpu.memory_space<vmem_shared>>
        %dma_wait3A_113 = arith.constant 0 : i32
        %dma_wait3A_114 = tpu.memref_slice %arg7[%add3A_106, %dma_wait3A_113] : memref<10240x16xf32, #tpu.memory_space<vmem_shared>> -> memref<64x16xf32, #tpu.memory_space<vmem_shared>>
        tpu.wait_dma2 semaphore(%run_scoped3A : memref<!tpu.dma_semaphore, #tpu.memory_space<semaphore_mem>>) src(%arg11 : memref<64x16xf32, #tpu.memory_space<vmem>>) dst(%dma_wait3A_114 : memref<64x16xf32, #tpu.memory_space<vmem_shared>>)
        tpu.yield
      }) : () -> ()
      %scan3A_107 = arith.constant 0 : i32
      scf.yield %scan3A_107 : i32
    }
    %scan3A_82 = arith.constant 10 : i32
    %scan3A_83 = arith.constant 0 : i32
    %scan3A_84 = arith.constant 0 : i32
    %scan3A_85 = arith.constant 640 : i32
    %scan3A_86 = arith.addi %scan3A_84, %scan3A_85 : i32
    %scan3A_87 = arith.constant 1 : i32
    %scan3A_88 = scf.for %scan3A_102 = %scan3A_84 to %scan3A_86 step %scan3A_87 iter_args(%scan3A_103 = %scan3A_83) -> (i32)  : i32 {
      %get3A = arith.index_cast %scan3A_102 : i32 to index
      %get3A_104 = arith.constant 0 : index
      %get3A_105 = tpu.vector_load %arg12[%get3A, %get3A_104] {strides = array<i32>} : memref<640x16xf32, #tpu.memory_space<vmem>>, vector<1x16xf32>,
      %get3A_106 = vector.shape_cast %get3A_105 : vector<1x16xf32> to vector<16xf32>
      %add3A_107 = arith.constant 1.000000e+00 : f32
      %add3A_108 = vector.broadcast %add3A_107 : f32 to vector<16xf32>
      %add3A_109 = arith.addf %get3A_106, %add3A_108 : vector<16xf32>
      %bitcast_convert_type3A = tpu.bitcast %add3A_109 : vector<16xf32> -> vector<16xi32>
      %shift_right_arithmetic3A = arith.constant 1 : i32
      %shift_right_arithmetic3A_110 = vector.broadcast %shift_right_arithmetic3A : i32 to vector<16xi32>
      %shift_right_arithmetic3A_111 = arith.shrsi %bitcast_convert_type3A, %shift_right_arithmetic3A_110 : vector<16xi32>
      %sub3A = arith.constant 1597463007 : i32
      %sub3A_112 = vector.broadcast %sub3A : i32 to vector<16xi32>
      %sub3A_113 = arith.subi %sub3A_112, %shift_right_arithmetic3A_111 : vector<16xi32>
      %bitcast_convert_type3A_114 = tpu.bitcast %sub3A_113 : vector<16xi32> -> vector<16xf32>
      %mul3A_115 = arith.constant 5.000000e-01 : f32
      %mul3A_116 = vector.broadcast %mul3A_115 : f32 to vector<16xf32>
      %mul3A_117 = arith.mulf %mul3A_116, %add3A_109 : vector<16xf32>
      %mul3A_118 = arith.mulf %mul3A_117, %bitcast_convert_type3A_114 : vector<16xf32>
      %mul3A_119 = arith.mulf %mul3A_118, %bitcast_convert_type3A_114 : vector<16xf32>
      %sub3A_120 = arith.constant 1.500000e+00 : f32
      %sub3A_121 = vector.broadcast %sub3A_120 : f32 to vector<16xf32>
      %sub3A_122 = arith.subf %sub3A_121, %mul3A_119 : vector<16xf32>
      %mul3A_123 = arith.mulf %bitcast_convert_type3A_114, %sub3A_122 : vector<16xf32>
      %mul3A_124 = arith.constant 5.000000e-01 : f32
      %mul3A_125 = vector.broadcast %mul3A_124 : f32 to vector<16xf32>
      %mul3A_126 = arith.mulf %mul3A_125, %add3A_109 : vector<16xf32>
      %mul3A_127 = arith.mulf %mul3A_126, %mul3A_123 : vector<16xf32>
      %mul3A_128 = arith.mulf %mul3A_127, %mul3A_123 : vector<16xf32>
      %sub3A_129 = arith.constant 1.500000e+00 : f32
      %sub3A_130 = vector.broadcast %sub3A_129 : f32 to vector<16xf32>
      %sub3A_131 = arith.subf %sub3A_130, %mul3A_128 : vector<16xf32>
      %mul3A_132 = arith.mulf %mul3A_123, %sub3A_131 : vector<16xf32>
      %mul3A_133 = arith.constant 5.000000e-01 : f32
      %mul3A_134 = vector.broadcast %mul3A_133 : f32 to vector<16xf32>
      %mul3A_135 = arith.mulf %mul3A_134, %add3A_109 : vector<16xf32>
      %mul3A_136 = arith.mulf %mul3A_135, %mul3A_132 : vector<16xf32>
      %mul3A_137 = arith.mulf %mul3A_136, %mul3A_132 : vector<16xf32>
      %sub3A_138 = arith.constant 1.500000e+00 : f32
      %sub3A_139 = vector.broadcast %sub3A_138 : f32 to vector<16xf32>
      %sub3A_140 = arith.subf %sub3A_139, %mul3A_137 : vector<16xf32>
      %mul3A_141 = arith.mulf %mul3A_132, %sub3A_140 : vector<16xf32>
      %add3A_142 = arith.addi %mul3A_0, %scan3A_102 : i32
      %lt3A = arith.constant 10000 : i32
      %lt3A_143 = arith.cmpi slt, %add3A_142, %lt3A : i32
      %jit3A = arith.constant 0.000000e+00 : f32
      %broadcast_in_dim3A = vector.broadcast %jit3A : f32 to vector<16xf32>
      %select_n3A = arith.select %lt3A_143, %mul3A_141, %broadcast_in_dim3A : vector<16xf32>
      %get3A_144 = arith.index_cast %scan3A_102 : i32 to index
      %get3A_145 = arith.constant 0 : index
      %get3A_146 = tpu.vector_load %arg13[%get3A_144, %get3A_145] {strides = array<i32>} : memref<640x16xf32, #tpu.memory_space<vmem>>, vector<1x16xf32>,
      %get3A_147 = vector.shape_cast %get3A_146 : vector<1x16xf32> to vector<16xf32>
      %mul3A_148 = arith.mulf %select_n3A, %get3A_147 : vector<16xf32>
      %swap3A = arith.index_cast %scan3A_102 : i32 to index
      %swap3A_149 = arith.constant 0 : index
      %swap3A_150 = tpu.vector_load %arg13[%swap3A, %swap3A_149] {strides = array<i32>} : memref<640x16xf32, #tpu.memory_space<vmem>>, vector<1x16xf32>,
      %swap3A_151 = vector.shape_cast %swap3A_150 : vector<1x16xf32> to vector<16xf32>
      %swap3A_152 = vector.shape_cast %mul3A_148 : vector<16xf32> to vector<1x16xf32>
      tpu.vector_store %arg13[%swap3A, %swap3A_149], %swap3A_152 {strides = array<i32>} : memref<640x16xf32, #tpu.memory_space<vmem>>, vector<1x16xf32>,
      %mul3A_153 = arith.constant 1.000000e-01 : f32
      %mul3A_154 = vector.broadcast %mul3A_153 : f32 to vector<16xf32>
      %mul3A_155 = arith.mulf %mul3A_154, %select_n3A : vector<16xf32>
      %mul3A_156 = arith.mulf %mul3A_155, %get3A_147 : vector<16xf32>
      %swap3A_157 = arith.index_cast %scan3A_102 : i32 to index
      %swap3A_158 = arith.constant 0 : index
      %swap3A_159 = tpu.vector_load %arg15[%swap3A_157, %swap3A_158] {strides = array<i32>} : memref<640x16xf32, #tpu.memory_space<vmem>>, vector<1x16xf32>,
      %swap3A_160 = vector.shape_cast %swap3A_159 : vector<1x16xf32> to vector<16xf32>
      %swap3A_161 = vector.shape_cast %mul3A_156 : vector<16xf32> to vector<1x16xf32>
      tpu.vector_store %arg15[%swap3A_157, %swap3A_158], %swap3A_161 {strides = array<i32>} : memref<640x16xf32, #tpu.memory_space<vmem>>, vector<1x16xf32>,
      %mul3A_162 = arith.constant 0.899999976 : f32
      %mul3A_163 = vector.broadcast %mul3A_162 : f32 to vector<16xf32>
      %mul3A_164 = arith.mulf %mul3A_163, %select_n3A : vector<16xf32>
      %mul3A_165 = arith.mulf %mul3A_164, %select_n3A : vector<16xf32>
      %swap3A_166 = arith.index_cast %scan3A_102 : i32 to index
      %swap3A_167 = arith.constant 0 : index
      %swap3A_168 = tpu.vector_load %arg14[%swap3A_166, %swap3A_167] {strides = array<i32>} : memref<640x16xf32, #tpu.memory_space<vmem>>, vector<1x16xf32>,
      %swap3A_169 = vector.shape_cast %swap3A_168 : vector<1x16xf32> to vector<16xf32>
      %swap3A_170 = vector.shape_cast %mul3A_165 : vector<16xf32> to vector<1x16xf32>
      tpu.vector_store %arg14[%swap3A_166, %swap3A_167], %swap3A_170 {strides = array<i32>} : memref<640x16xf32, #tpu.memory_space<vmem>>, vector<1x16xf32>,
      %scan3A_171 = arith.constant 0 : i32
      scf.yield %scan3A_171 : i32
    }
    %scan3A_89 = arith.constant 640 : i32
    "tpu.region"() ({
      %run_scoped3A = tpu.sem_alloc : memref<!tpu.dma_semaphore, #tpu.memory_space<semaphore_mem>>
      %dma_start3A = arith.constant 0 : i32
      %dma_start3A_102 = tpu.memref_slice %arg6[%mul3A_0, %dma_start3A] : memref<10240x16xf32, #tpu.memory_space<vmem_shared>> -> memref<640x16xf32, #tpu.memory_space<vmem_shared>>
      %dma_start3A_103 = arith.constant 0 : i32
      %dma_start3A_104 = tpu.memref_slice %arg6[%mul3A_0, %dma_start3A_103] : memref<10240x16xf32, #tpu.memory_space<vmem_shared>> -> memref<640x16xf32, #tpu.memory_space<vmem_shared>>
      tpu.enqueue_dma source(%arg13 : memref<640x16xf32, #tpu.memory_space<vmem>>) target(%dma_start3A_104 : memref<640x16xf32, #tpu.memory_space<vmem_shared>>) target_semaphore(%run_scoped3A : memref<!tpu.dma_semaphore, #tpu.memory_space<semaphore_mem>>)
      %dma_wait3A_105 = arith.constant 0 : i32
      %dma_wait3A_106 = tpu.memref_slice %arg6[%mul3A_0, %dma_wait3A_105] : memref<10240x16xf32, #tpu.memory_space<vmem_shared>> -> memref<640x16xf32, #tpu.memory_space<vmem_shared>>
      %dma_wait3A_107 = arith.constant 0 : i32
      %dma_wait3A_108 = tpu.memref_slice %arg6[%mul3A_0, %dma_wait3A_107] : memref<10240x16xf32, #tpu.memory_space<vmem_shared>> -> memref<640x16xf32, #tpu.memory_space<vmem_shared>>
      tpu.wait_dma2 semaphore(%run_scoped3A : memref<!tpu.dma_semaphore, #tpu.memory_space<semaphore_mem>>) src(%arg13 : memref<640x16xf32, #tpu.memory_space<vmem>>) dst(%dma_wait3A_108 : memref<640x16xf32, #tpu.memory_space<vmem_shared>>)
      tpu.yield
    }) : () -> ()
    %barrier3A_90 = arith.constant 0 : index
    tpu.barrier barrier_id(%barrier3A_90)
    %scan3A_91 = arith.constant 0 : i32
    %scan3A_92 = arith.constant 0 : i32
    %scan3A_93 = arith.constant 10 : i32
    %scan3A_94 = arith.addi %scan3A_92, %scan3A_93 : i32
    %scan3A_95 = arith.constant 1 : i32
    %scan3A_96 = scf.for %scan3A_102 = %scan3A_92 to %scan3A_94 step %scan3A_95 iter_args(%scan3A_103 = %scan3A_91) -> (i32)  : i32 {
      %dma_start3A = arith.constant 0 : i32
      %dma_start3A_104 = arith.constant 0 : i32
      %dma_start3A_105 = arith.constant 0 : i32
      %dma_start3A_106 = arith.constant 0 : i32
      %dma_start3A_107 = tpu.memref_slice %arg10[%dma_start3A_104, %dma_start3A_105, %dma_start3A_106] : memref<8x128x16xf32, #tpu.memory_space<vmem>> -> memref<1x128x16xf32, #tpu.memory_space<vmem>>
      %dma_start3A_108 = tpu.memref_squeeze %dma_start3A_107 : memref<1x128x16xf32, #tpu.memory_space<vmem>> -> memref<128x16xf32, #tpu.memory_space<vmem>>
      %dma_start3A_109 = arith.constant 0 : i32
      %dma_start3A_110 = tpu.memref_slice %arg8[%dma_start3A, %dma_start3A_109] : memref<160x128xi32, #tpu.memory_space<vmem>> -> memref<1x128xi32, #tpu.memory_space<vmem>>
      %dma_start3A_111 = tpu.memref_squeeze %dma_start3A_110 : memref<1x128xi32, #tpu.memory_space<vmem>> -> memref<128xi32, #tpu.memory_space<vmem>>
      %dma_start3A_112 = arith.constant 0 : i32
      %dma_start3A_113 = arith.constant 0 : i32
      %dma_start3A_114 = tpu.memref_slice %arg6[%dma_start3A_112, %dma_start3A_113] : memref<10240x16xf32, #tpu.memory_space<vmem_shared>> -> memref<10240x16xf32, #tpu.memory_space<vmem_shared>>
      tpu.enqueue_indirect_dma source(%dma_start3A_114 : memref<10240x16xf32, #tpu.memory_space<vmem_shared>>) target(%dma_start3A_108 : memref<128x16xf32, #tpu.memory_space<vmem>>) offsets(%dma_start3A_111 : memref<128xi32, #tpu.memory_space<vmem>>) semaphore(%arg16 : memref<!tpu.dma_semaphore, #tpu.memory_space<semaphore_mem>>)
      %dma_start3A_115 = arith.constant 1 : i32
      %dma_start3A_116 = arith.constant 1 : i32
      %dma_start3A_117 = arith.constant 0 : i32
      %dma_start3A_118 = arith.constant 0 : i32
      %dma_start3A_119 = tpu.memref_slice %arg10[%dma_start3A_116, %dma_start3A_117, %dma_start3A_118] : memref<8x128x16xf32, #tpu.memory_space<vmem>> -> memref<1x128x16xf32, #tpu.memory_space<vmem>>
      %dma_start3A_120 = tpu.memref_squeeze %dma_start3A_119 : memref<1x128x16xf32, #tpu.memory_space<vmem>> -> memref<128x16xf32, #tpu.memory_space<vmem>>
      %dma_start3A_121 = arith.constant 0 : i32
      %dma_start3A_122 = tpu.memref_slice %arg8[%dma_start3A_115, %dma_start3A_121] : memref<160x128xi32, #tpu.memory_space<vmem>> -> memref<1x128xi32, #tpu.memory_space<vmem>>
      %dma_start3A_123 = tpu.memref_squeeze %dma_start3A_122 : memref<1x128xi32, #tpu.memory_space<vmem>> -> memref<128xi32, #tpu.memory_space<vmem>>
      %dma_start3A_124 = arith.constant 0 : i32
      %dma_start3A_125 = arith.constant 0 : i32
      %dma_start3A_126 = tpu.memref_slice %arg6[%dma_start3A_124, %dma_start3A_125] : memref<10240x16xf32, #tpu.memory_space<vmem_shared>> -> memref<10240x16xf32, #tpu.memory_space<vmem_shared>>
      tpu.enqueue_indirect_dma source(%dma_start3A_126 : memref<10240x16xf32, #tpu.memory_space<vmem_shared>>) target(%dma_start3A_120 : memref<128x16xf32, #tpu.memory_space<vmem>>) offsets(%dma_start3A_123 : memref<128xi32, #tpu.memory_space<vmem>>) semaphore(%arg16 : memref<!tpu.dma_semaphore, #tpu.memory_space<semaphore_mem>>)
      %dma_start3A_127 = arith.constant 2 : i32
      %dma_start3A_128 = arith.constant 2 : i32
      %dma_start3A_129 = arith.constant 0 : i32
      %dma_start3A_130 = arith.constant 0 : i32
      %dma_start3A_131 = tpu.memref_slice %arg10[%dma_start3A_128, %dma_start3A_129, %dma_start3A_130] : memref<8x128x16xf32, #tpu.memory_space<vmem>> -> memref<1x128x16xf32, #tpu.memory_space<vmem>>
      %dma_start3A_132 = tpu.memref_squeeze %dma_start3A_131 : memref<1x128x16xf32, #tpu.memory_space<vmem>> -> memref<128x16xf32, #tpu.memory_space<vmem>>
      %dma_start3A_133 = arith.constant 0 : i32
      %dma_start3A_134 = tpu.memref_slice %arg8[%dma_start3A_127, %dma_start3A_133] : memref<160x128xi32, #tpu.memory_space<vmem>> -> memref<1x128xi32, #tpu.memory_space<vmem>>
      %dma_start3A_135 = tpu.memref_squeeze %dma_start3A_134 : memref<1x128xi32, #tpu.memory_space<vmem>> -> memref<128xi32, #tpu.memory_space<vmem>>
      %dma_start3A_136 = arith.constant 0 : i32
      %dma_start3A_137 = arith.constant 0 : i32
      %dma_start3A_138 = tpu.memref_slice %arg6[%dma_start3A_136, %dma_start3A_137] : memref<10240x16xf32, #tpu.memory_space<vmem_shared>> -> memref<10240x16xf32, #tpu.memory_space<vmem_shared>>
      tpu.enqueue_indirect_dma source(%dma_start3A_138 : memref<10240x16xf32, #tpu.memory_space<vmem_shared>>) target(%dma_start3A_132 : memref<128x16xf32, #tpu.memory_space<vmem>>) offsets(%dma_start3A_135 : memref<128xi32, #tpu.memory_space<vmem>>) semaphore(%arg16 : memref<!tpu.dma_semaphore, #tpu.memory_space<semaphore_mem>>)
      %dma_start3A_139 = arith.constant 3 : i32
      %dma_start3A_140 = arith.constant 3 : i32
      %dma_start3A_141 = arith.constant 0 : i32
      %dma_start3A_142 = arith.constant 0 : i32
      %dma_start3A_143 = tpu.memref_slice %arg10[%dma_start3A_140, %dma_start3A_141, %dma_start3A_142] : memref<8x128x16xf32, #tpu.memory_space<vmem>> -> memref<1x128x16xf32, #tpu.memory_space<vmem>>
      %dma_start3A_144 = tpu.memref_squeeze %dma_start3A_143 : memref<1x128x16xf32, #tpu.memory_space<vmem>> -> memref<128x16xf32, #tpu.memory_space<vmem>>
      %dma_start3A_145 = arith.constant 0 : i32
      %dma_start3A_146 = tpu.memref_slice %arg8[%dma_start3A_139, %dma_start3A_145] : memref<160x128xi32, #tpu.memory_space<vmem>> -> memref<1x128xi32, #tpu.memory_space<vmem>>
      %dma_start3A_147 = tpu.memref_squeeze %dma_start3A_146 : memref<1x128xi32, #tpu.memory_space<vmem>> -> memref<128xi32, #tpu.memory_space<vmem>>
      %dma_start3A_148 = arith.constant 0 : i32
      %dma_start3A_149 = arith.constant 0 : i32
      %dma_start3A_150 = tpu.memref_slice %arg6[%dma_start3A_148, %dma_start3A_149] : memref<10240x16xf32, #tpu.memory_space<vmem_shared>> -> memref<10240x16xf32, #tpu.memory_space<vmem_shared>>
      tpu.enqueue_indirect_dma source(%dma_start3A_150 : memref<10240x16xf32, #tpu.memory_space<vmem_shared>>) target(%dma_start3A_144 : memref<128x16xf32, #tpu.memory_space<vmem>>) offsets(%dma_start3A_147 : memref<128xi32, #tpu.memory_space<vmem>>) semaphore(%arg16 : memref<!tpu.dma_semaphore, #tpu.memory_space<semaphore_mem>>)
      %scan3A_151 = arith.constant 0 : i32
      %scan3A_152 = arith.constant 0 : i32
      %scan3A_153 = arith.constant 40 : i32
      %scan3A_154 = arith.addi %scan3A_152, %scan3A_153 : i32
      %scan3A_155 = arith.constant 1 : i32
      %scan3A_156 = scf.for %scan3A_222 = %scan3A_152 to %scan3A_154 step %scan3A_155 iter_args(%scan3A_223 = %scan3A_151) -> (i32)  : i32 {
        %jit3A = arith.constant 2 : i32
        %eq3A_224 = arith.constant 0 : i32
        %eq3A_225 = arith.cmpi eq, %jit3A, %eq3A_224 : i32
        %jit3A_226 = arith.constant 1 : i32
        %select_n3A = arith.select %eq3A_225, %jit3A_226, %jit3A : i32
        %rem3A = arith.remsi %scan3A_222, %select_n3A : i32
        %ne3A = arith.constant 0 : i32
        %ne3A_227 = arith.cmpi ne, %rem3A, %ne3A : i32
        %lt3A = arith.constant 0 : i32
        %lt3A_228 = arith.cmpi slt, %rem3A, %lt3A : i32
        %lt3A_229 = arith.constant 0 : i32
        %lt3A_230 = arith.cmpi slt, %select_n3A, %lt3A_229 : i32
        %ne3A_231 = arith.xori %lt3A_228, %lt3A_230 : i1
        %and3A = arith.andi %ne3A_231, %ne3A_227 : i1
        %add3A_232 = arith.addi %rem3A, %select_n3A : i32
        %select_n3A_233 = arith.select %and3A, %add3A_232, %rem3A : i32
        %mul3A_234 = arith.constant 4 : i32
        %mul3A_235 = arith.muli %select_n3A_233, %mul3A_234 : i32
        %sub3A = arith.constant 4 : i32
        %sub3A_236 = arith.subi %sub3A, %mul3A_235 : i32
        %ge3A = arith.constant 1 : i32
        %ge3A_237 = arith.cmpi sge, %scan3A_222, %ge3A : i32
        %convert_element_type3A_238 = arith.extui %ge3A_237 : i1 to i32
        %cond3A_239 = arith.constant 0 : i32
        %cond3A_240 = arith.cmpi ne, %convert_element_type3A_238, %cond3A_239 : i32
        scf.if %cond3A_240 {
          %dma_wait3A_336 = arith.constant 0 : i32
          %dma_wait3A_337 = arith.constant 0 : i32
          %dma_wait3A_338 = arith.constant 0 : i32
          %dma_wait3A_339 = arith.constant 0 : i32
          %dma_wait3A_340 = tpu.memref_slice %arg10[%dma_wait3A_337, %dma_wait3A_338, %dma_wait3A_339] : memref<8x128x16xf32, #tpu.memory_space<vmem>> -> memref<1x128x16xf32, #tpu.memory_space<vmem>>
          %dma_wait3A_341 = tpu.memref_squeeze %dma_wait3A_340 : memref<1x128x16xf32, #tpu.memory_space<vmem>> -> memref<128x16xf32, #tpu.memory_space<vmem>>
          %dma_wait3A_342 = arith.constant 0 : i32
          %dma_wait3A_343 = tpu.memref_slice %arg8[%dma_wait3A_336, %dma_wait3A_342] : memref<160x128xi32, #tpu.memory_space<vmem>> -> memref<1x128xi32, #tpu.memory_space<vmem>>
          %dma_wait3A_344 = tpu.memref_squeeze %dma_wait3A_343 : memref<1x128xi32, #tpu.memory_space<vmem>> -> memref<128xi32, #tpu.memory_space<vmem>>
          %dma_wait3A_345 = arith.constant 0 : i32
          %dma_wait3A_346 = arith.constant 0 : i32
          %dma_wait3A_347 = tpu.memref_slice %arg6[%dma_wait3A_345, %dma_wait3A_346] : memref<10240x16xf32, #tpu.memory_space<vmem_shared>> -> memref<10240x16xf32, #tpu.memory_space<vmem_shared>>
          tpu.wait_indirect_dma semaphore(%arg18 : memref<!tpu.dma_semaphore, #tpu.memory_space<semaphore_mem>>) src(%dma_wait3A_347 : memref<10240x16xf32, #tpu.memory_space<vmem_shared>>) dst(%dma_wait3A_341 : memref<128x16xf32, #tpu.memory_space<vmem>>)
          %dma_wait3A_348 = arith.constant 0 : i32
          %dma_wait3A_349 = arith.constant 0 : i32
          %dma_wait3A_350 = arith.constant 0 : i32
          %dma_wait3A_351 = arith.constant 0 : i32
          %dma_wait3A_352 = tpu.memref_slice %arg10[%dma_wait3A_349, %dma_wait3A_350, %dma_wait3A_351] : memref<8x128x16xf32, #tpu.memory_space<vmem>> -> memref<1x128x16xf32, #tpu.memory_space<vmem>>
          %dma_wait3A_353 = tpu.memref_squeeze %dma_wait3A_352 : memref<1x128x16xf32, #tpu.memory_space<vmem>> -> memref<128x16xf32, #tpu.memory_space<vmem>>
          %dma_wait3A_354 = arith.constant 0 : i32
          %dma_wait3A_355 = tpu.memref_slice %arg8[%dma_wait3A_348, %dma_wait3A_354] : memref<160x128xi32, #tpu.memory_space<vmem>> -> memref<1x128xi32, #tpu.memory_space<vmem>>
          %dma_wait3A_356 = tpu.memref_squeeze %dma_wait3A_355 : memref<1x128xi32, #tpu.memory_space<vmem>> -> memref<128xi32, #tpu.memory_space<vmem>>
          %dma_wait3A_357 = arith.constant 0 : i32
          %dma_wait3A_358 = arith.constant 0 : i32
          %dma_wait3A_359 = tpu.memref_slice %arg6[%dma_wait3A_357, %dma_wait3A_358] : memref<10240x16xf32, #tpu.memory_space<vmem_shared>> -> memref<10240x16xf32, #tpu.memory_space<vmem_shared>>
          tpu.wait_indirect_dma semaphore(%arg18 : memref<!tpu.dma_semaphore, #tpu.memory_space<semaphore_mem>>) src(%dma_wait3A_359 : memref<10240x16xf32, #tpu.memory_space<vmem_shared>>) dst(%dma_wait3A_353 : memref<128x16xf32, #tpu.memory_space<vmem>>)
          %dma_wait3A_360 = arith.constant 0 : i32
          %dma_wait3A_361 = arith.constant 0 : i32
          %dma_wait3A_362 = arith.constant 0 : i32
          %dma_wait3A_363 = arith.constant 0 : i32
          %dma_wait3A_364 = tpu.memref_slice %arg10[%dma_wait3A_361, %dma_wait3A_362, %dma_wait3A_363] : memref<8x128x16xf32, #tpu.memory_space<vmem>> -> memref<1x128x16xf32, #tpu.memory_space<vmem>>
          %dma_wait3A_365 = tpu.memref_squeeze %dma_wait3A_364 : memref<1x128x16xf32, #tpu.memory_space<vmem>> -> memref<128x16xf32, #tpu.memory_space<vmem>>
          %dma_wait3A_366 = arith.constant 0 : i32
          %dma_wait3A_367 = tpu.memref_slice %arg8[%dma_wait3A_360, %dma_wait3A_366] : memref<160x128xi32, #tpu.memory_space<vmem>> -> memref<1x128xi32, #tpu.memory_space<vmem>>
          %dma_wait3A_368 = tpu.memref_squeeze %dma_wait3A_367 : memref<1x128xi32, #tpu.memory_space<vmem>> -> memref<128xi32, #tpu.memory_space<vmem>>
          %dma_wait3A_369 = arith.constant 0 : i32
          %dma_wait3A_370 = arith.constant 0 : i32
          %dma_wait3A_371 = tpu.memref_slice %arg6[%dma_wait3A_369, %dma_wait3A_370] : memref<10240x16xf32, #tpu.memory_space<vmem_shared>> -> memref<10240x16xf32, #tpu.memory_space<vmem_shared>>
          tpu.wait_indirect_dma semaphore(%arg18 : memref<!tpu.dma_semaphore, #tpu.memory_space<semaphore_mem>>) src(%dma_wait3A_371 : memref<10240x16xf32, #tpu.memory_space<vmem_shared>>) dst(%dma_wait3A_365 : memref<128x16xf32, #tpu.memory_space<vmem>>)
          %dma_wait3A_372 = arith.constant 0 : i32
          %dma_wait3A_373 = arith.constant 0 : i32
          %dma_wait3A_374 = arith.constant 0 : i32
          %dma_wait3A_375 = arith.constant 0 : i32
          %dma_wait3A_376 = tpu.memref_slice %arg10[%dma_wait3A_373, %dma_wait3A_374, %dma_wait3A_375] : memref<8x128x16xf32, #tpu.memory_space<vmem>> -> memref<1x128x16xf32, #tpu.memory_space<vmem>>
          %dma_wait3A_377 = tpu.memref_squeeze %dma_wait3A_376 : memref<1x128x16xf32, #tpu.memory_space<vmem>> -> memref<128x16xf32, #tpu.memory_space<vmem>>
          %dma_wait3A_378 = arith.constant 0 : i32
          %dma_wait3A_379 = tpu.memref_slice %arg8[%dma_wait3A_372, %dma_wait3A_378] : memref<160x128xi32, #tpu.memory_space<vmem>> -> memref<1x128xi32, #tpu.memory_space<vmem>>
          %dma_wait3A_380 = tpu.memref_squeeze %dma_wait3A_379 : memref<1x128xi32, #tpu.memory_space<vmem>> -> memref<128xi32, #tpu.memory_space<vmem>>
          %dma_wait3A_381 = arith.constant 0 : i32
          %dma_wait3A_382 = arith.constant 0 : i32
          %dma_wait3A_383 = tpu.memref_slice %arg6[%dma_wait3A_381, %dma_wait3A_382] : memref<10240x16xf32, #tpu.memory_space<vmem_shared>> -> memref<10240x16xf32, #tpu.memory_space<vmem_shared>>
          tpu.wait_indirect_dma semaphore(%arg18 : memref<!tpu.dma_semaphore, #tpu.memory_space<semaphore_mem>>) src(%dma_wait3A_383 : memref<10240x16xf32, #tpu.memory_space<vmem_shared>>) dst(%dma_wait3A_377 : memref<128x16xf32, #tpu.memory_space<vmem>>)
        } else {
        }
        %add3A_241 = arith.constant 1 : i32
        %add3A_242 = arith.addi %scan3A_222, %add3A_241 : i32
        %lt3A_243 = arith.constant 40 : i32
        %lt3A_244 = arith.cmpi slt, %add3A_242, %lt3A_243 : i32
        %eq3A_245 = arith.constant 0 : i32
        %eq3A_246 = arith.cmpi eq, %select_n3A_233, %eq3A_245 : i32
        %and3A_247 = arith.andi %lt3A_244, %eq3A_246 : i1
        %convert_element_type3A_248 = arith.extui %and3A_247 : i1 to i32
        %cond3A_249 = arith.constant 0 : i32
        %cond3A_250 = arith.cmpi ne, %convert_element_type3A_248, %cond3A_249 : i32
        scf.if %cond3A_250 {
          %add3A_336 = arith.constant 1 : i32
          %add3A_337 = arith.addi %scan3A_222, %add3A_336 : i32
          %mul3A_338 = arith.constant 4 : i32
          %mul3A_339 = arith.muli %add3A_337, %mul3A_338 : i32
          %add3A_340 = arith.constant 0 : i32
          %add3A_341 = arith.addi %mul3A_339, %add3A_340 : i32
          %dma_start3A_342 = arith.constant 4 : i32
          %dma_start3A_343 = arith.constant 0 : i32
          %dma_start3A_344 = arith.constant 0 : i32
          %dma_start3A_345 = tpu.memref_slice %arg10[%dma_start3A_342, %dma_start3A_343, %dma_start3A_344] : memref<8x128x16xf32, #tpu.memory_space<vmem>> -> memref<1x128x16xf32, #tpu.memory_space<vmem>>
          %dma_start3A_346 = tpu.memref_squeeze %dma_start3A_345 : memref<1x128x16xf32, #tpu.memory_space<vmem>> -> memref<128x16xf32, #tpu.memory_space<vmem>>
          %dma_start3A_347 = arith.constant 0 : i32
          %dma_start3A_348 = tpu.memref_slice %arg8[%add3A_341, %dma_start3A_347] : memref<160x128xi32, #tpu.memory_space<vmem>> -> memref<1x128xi32, #tpu.memory_space<vmem>>
          %dma_start3A_349 = tpu.memref_squeeze %dma_start3A_348 : memref<1x128xi32, #tpu.memory_space<vmem>> -> memref<128xi32, #tpu.memory_space<vmem>>
          %dma_start3A_350 = arith.constant 0 : i32
          %dma_start3A_351 = arith.constant 0 : i32
          %dma_start3A_352 = tpu.memref_slice %arg6[%dma_start3A_350, %dma_start3A_351] : memref<10240x16xf32, #tpu.memory_space<vmem_shared>> -> memref<10240x16xf32, #tpu.memory_space<vmem_shared>>
          tpu.enqueue_indirect_dma source(%dma_start3A_352 : memref<10240x16xf32, #tpu.memory_space<vmem_shared>>) target(%dma_start3A_346 : memref<128x16xf32, #tpu.memory_space<vmem>>) offsets(%dma_start3A_349 : memref<128xi32, #tpu.memory_space<vmem>>) semaphore(%arg17 : memref<!tpu.dma_semaphore, #tpu.memory_space<semaphore_mem>>)
          %add3A_353 = arith.constant 1 : i32
          %add3A_354 = arith.addi %mul3A_339, %add3A_353 : i32
          %dma_start3A_355 = arith.constant 5 : i32
          %dma_start3A_356 = arith.constant 0 : i32
          %dma_start3A_357 = arith.constant 0 : i32
          %dma_start3A_358 = tpu.memref_slice %arg10[%dma_start3A_355, %dma_start3A_356, %dma_start3A_357] : memref<8x128x16xf32, #tpu.memory_space<vmem>> -> memref<1x128x16xf32, #tpu.memory_space<vmem>>
          %dma_start3A_359 = tpu.memref_squeeze %dma_start3A_358 : memref<1x128x16xf32, #tpu.memory_space<vmem>> -> memref<128x16xf32, #tpu.memory_space<vmem>>
          %dma_start3A_360 = arith.constant 0 : i32
          %dma_start3A_361 = tpu.memref_slice %arg8[%add3A_354, %dma_start3A_360] : memref<160x128xi32, #tpu.memory_space<vmem>> -> memref<1x128xi32, #tpu.memory_space<vmem>>
          %dma_start3A_362 = tpu.memref_squeeze %dma_start3A_361 : memref<1x128xi32, #tpu.memory_space<vmem>> -> memref<128xi32, #tpu.memory_space<vmem>>
          %dma_start3A_363 = arith.constant 0 : i32
          %dma_start3A_364 = arith.constant 0 : i32
          %dma_start3A_365 = tpu.memref_slice %arg6[%dma_start3A_363, %dma_start3A_364] : memref<10240x16xf32, #tpu.memory_space<vmem_shared>> -> memref<10240x16xf32, #tpu.memory_space<vmem_shared>>
          tpu.enqueue_indirect_dma source(%dma_start3A_365 : memref<10240x16xf32, #tpu.memory_space<vmem_shared>>) target(%dma_start3A_359 : memref<128x16xf32, #tpu.memory_space<vmem>>) offsets(%dma_start3A_362 : memref<128xi32, #tpu.memory_space<vmem>>) semaphore(%arg17 : memref<!tpu.dma_semaphore, #tpu.memory_space<semaphore_mem>>)
          %add3A_366 = arith.constant 2 : i32
          %add3A_367 = arith.addi %mul3A_339, %add3A_366 : i32
          %dma_start3A_368 = arith.constant 6 : i32
          %dma_start3A_369 = arith.constant 0 : i32
          %dma_start3A_370 = arith.constant 0 : i32
          %dma_start3A_371 = tpu.memref_slice %arg10[%dma_start3A_368, %dma_start3A_369, %dma_start3A_370] : memref<8x128x16xf32, #tpu.memory_space<vmem>> -> memref<1x128x16xf32, #tpu.memory_space<vmem>>
          %dma_start3A_372 = tpu.memref_squeeze %dma_start3A_371 : memref<1x128x16xf32, #tpu.memory_space<vmem>> -> memref<128x16xf32, #tpu.memory_space<vmem>>
          %dma_start3A_373 = arith.constant 0 : i32
          %dma_start3A_374 = tpu.memref_slice %arg8[%add3A_367, %dma_start3A_373] : memref<160x128xi32, #tpu.memory_space<vmem>> -> memref<1x128xi32, #tpu.memory_space<vmem>>
          %dma_start3A_375 = tpu.memref_squeeze %dma_start3A_374 : memref<1x128xi32, #tpu.memory_space<vmem>> -> memref<128xi32, #tpu.memory_space<vmem>>
          %dma_start3A_376 = arith.constant 0 : i32
          %dma_start3A_377 = arith.constant 0 : i32
          %dma_start3A_378 = tpu.memref_slice %arg6[%dma_start3A_376, %dma_start3A_377] : memref<10240x16xf32, #tpu.memory_space<vmem_shared>> -> memref<10240x16xf32, #tpu.memory_space<vmem_shared>>
          tpu.enqueue_indirect_dma source(%dma_start3A_378 : memref<10240x16xf32, #tpu.memory_space<vmem_shared>>) target(%dma_start3A_372 : memref<128x16xf32, #tpu.memory_space<vmem>>) offsets(%dma_start3A_375 : memref<128xi32, #tpu.memory_space<vmem>>) semaphore(%arg17 : memref<!tpu.dma_semaphore, #tpu.memory_space<semaphore_mem>>)
          %add3A_379 = arith.constant 3 : i32
          %add3A_380 = arith.addi %mul3A_339, %add3A_379 : i32
          %dma_start3A_381 = arith.constant 7 : i32
          %dma_start3A_382 = arith.constant 0 : i32
          %dma_start3A_383 = arith.constant 0 : i32
          %dma_start3A_384 = tpu.memref_slice %arg10[%dma_start3A_381, %dma_start3A_382, %dma_start3A_383] : memref<8x128x16xf32, #tpu.memory_space<vmem>> -> memref<1x128x16xf32, #tpu.memory_space<vmem>>
          %dma_start3A_385 = tpu.memref_squeeze %dma_start3A_384 : memref<1x128x16xf32, #tpu.memory_space<vmem>> -> memref<128x16xf32, #tpu.memory_space<vmem>>
          %dma_start3A_386 = arith.constant 0 : i32
          %dma_start3A_387 = tpu.memref_slice %arg8[%add3A_380, %dma_start3A_386] : memref<160x128xi32, #tpu.memory_space<vmem>> -> memref<1x128xi32, #tpu.memory_space<vmem>>
          %dma_start3A_388 = tpu.memref_squeeze %dma_start3A_387 : memref<1x128xi32, #tpu.memory_space<vmem>> -> memref<128xi32, #tpu.memory_space<vmem>>
          %dma_start3A_389 = arith.constant 0 : i32
          %dma_start3A_390 = arith.constant 0 : i32
          %dma_start3A_391 = tpu.memref_slice %arg6[%dma_start3A_389, %dma_start3A_390] : memref<10240x16xf32, #tpu.memory_space<vmem_shared>> -> memref<10240x16xf32, #tpu.memory_space<vmem_shared>>
          tpu.enqueue_indirect_dma source(%dma_start3A_391 : memref<10240x16xf32, #tpu.memory_space<vmem_shared>>) target(%dma_start3A_385 : memref<128x16xf32, #tpu.memory_space<vmem>>) offsets(%dma_start3A_388 : memref<128xi32, #tpu.memory_space<vmem>>) semaphore(%arg17 : memref<!tpu.dma_semaphore, #tpu.memory_space<semaphore_mem>>)
        } else {
        }
        %add3A_251 = arith.constant 1 : i32
        %add3A_252 = arith.addi %scan3A_222, %add3A_251 : i32
        %lt3A_253 = arith.constant 40 : i32
        %lt3A_254 = arith.cmpi slt, %add3A_252, %lt3A_253 : i32
        %eq3A_255 = arith.constant 1 : i32
        %eq3A_256 = arith.cmpi eq, %select_n3A_233, %eq3A_255 : i32
        %and3A_257 = arith.andi %lt3A_254, %eq3A_256 : i1
        %convert_element_type3A_258 = arith.extui %and3A_257 : i1 to i32
        %cond3A_259 = arith.constant 0 : i32
        %cond3A_260 = arith.cmpi ne, %convert_element_type3A_258, %cond3A_259 : i32
        scf.if %cond3A_260 {
          %add3A_336 = arith.constant 1 : i32
          %add3A_337 = arith.addi %scan3A_222, %add3A_336 : i32
          %mul3A_338 = arith.constant 4 : i32
          %mul3A_339 = arith.muli %add3A_337, %mul3A_338 : i32
          %add3A_340 = arith.constant 0 : i32
          %add3A_341 = arith.addi %mul3A_339, %add3A_340 : i32
          %dma_start3A_342 = arith.constant 0 : i32
          %dma_start3A_343 = arith.constant 0 : i32
          %dma_start3A_344 = arith.constant 0 : i32
          %dma_start3A_345 = tpu.memref_slice %arg10[%dma_start3A_342, %dma_start3A_343, %dma_start3A_344] : memref<8x128x16xf32, #tpu.memory_space<vmem>> -> memref<1x128x16xf32, #tpu.memory_space<vmem>>
          %dma_start3A_346 = tpu.memref_squeeze %dma_start3A_345 : memref<1x128x16xf32, #tpu.memory_space<vmem>> -> memref<128x16xf32, #tpu.memory_space<vmem>>
          %dma_start3A_347 = arith.constant 0 : i32
          %dma_start3A_348 = tpu.memref_slice %arg8[%add3A_341, %dma_start3A_347] : memref<160x128xi32, #tpu.memory_space<vmem>> -> memref<1x128xi32, #tpu.memory_space<vmem>>
          %dma_start3A_349 = tpu.memref_squeeze %dma_start3A_348 : memref<1x128xi32, #tpu.memory_space<vmem>> -> memref<128xi32, #tpu.memory_space<vmem>>
          %dma_start3A_350 = arith.constant 0 : i32
          %dma_start3A_351 = arith.constant 0 : i32
          %dma_start3A_352 = tpu.memref_slice %arg6[%dma_start3A_350, %dma_start3A_351] : memref<10240x16xf32, #tpu.memory_space<vmem_shared>> -> memref<10240x16xf32, #tpu.memory_space<vmem_shared>>
          tpu.enqueue_indirect_dma source(%dma_start3A_352 : memref<10240x16xf32, #tpu.memory_space<vmem_shared>>) target(%dma_start3A_346 : memref<128x16xf32, #tpu.memory_space<vmem>>) offsets(%dma_start3A_349 : memref<128xi32, #tpu.memory_space<vmem>>) semaphore(%arg16 : memref<!tpu.dma_semaphore, #tpu.memory_space<semaphore_mem>>)
          %add3A_353 = arith.constant 1 : i32
          %add3A_354 = arith.addi %mul3A_339, %add3A_353 : i32
          %dma_start3A_355 = arith.constant 1 : i32
          %dma_start3A_356 = arith.constant 0 : i32
          %dma_start3A_357 = arith.constant 0 : i32
          %dma_start3A_358 = tpu.memref_slice %arg10[%dma_start3A_355, %dma_start3A_356, %dma_start3A_357] : memref<8x128x16xf32, #tpu.memory_space<vmem>> -> memref<1x128x16xf32, #tpu.memory_space<vmem>>
          %dma_start3A_359 = tpu.memref_squeeze %dma_start3A_358 : memref<1x128x16xf32, #tpu.memory_space<vmem>> -> memref<128x16xf32, #tpu.memory_space<vmem>>
          %dma_start3A_360 = arith.constant 0 : i32
          %dma_start3A_361 = tpu.memref_slice %arg8[%add3A_354, %dma_start3A_360] : memref<160x128xi32, #tpu.memory_space<vmem>> -> memref<1x128xi32, #tpu.memory_space<vmem>>
          %dma_start3A_362 = tpu.memref_squeeze %dma_start3A_361 : memref<1x128xi32, #tpu.memory_space<vmem>> -> memref<128xi32, #tpu.memory_space<vmem>>
          %dma_start3A_363 = arith.constant 0 : i32
          %dma_start3A_364 = arith.constant 0 : i32
          %dma_start3A_365 = tpu.memref_slice %arg6[%dma_start3A_363, %dma_start3A_364] : memref<10240x16xf32, #tpu.memory_space<vmem_shared>> -> memref<10240x16xf32, #tpu.memory_space<vmem_shared>>
          tpu.enqueue_indirect_dma source(%dma_start3A_365 : memref<10240x16xf32, #tpu.memory_space<vmem_shared>>) target(%dma_start3A_359 : memref<128x16xf32, #tpu.memory_space<vmem>>) offsets(%dma_start3A_362 : memref<128xi32, #tpu.memory_space<vmem>>) semaphore(%arg16 : memref<!tpu.dma_semaphore, #tpu.memory_space<semaphore_mem>>)
          %add3A_366 = arith.constant 2 : i32
          %add3A_367 = arith.addi %mul3A_339, %add3A_366 : i32
          %dma_start3A_368 = arith.constant 2 : i32
          %dma_start3A_369 = arith.constant 0 : i32
          %dma_start3A_370 = arith.constant 0 : i32
          %dma_start3A_371 = tpu.memref_slice %arg10[%dma_start3A_368, %dma_start3A_369, %dma_start3A_370] : memref<8x128x16xf32, #tpu.memory_space<vmem>> -> memref<1x128x16xf32, #tpu.memory_space<vmem>>
          %dma_start3A_372 = tpu.memref_squeeze %dma_start3A_371 : memref<1x128x16xf32, #tpu.memory_space<vmem>> -> memref<128x16xf32, #tpu.memory_space<vmem>>
          %dma_start3A_373 = arith.constant 0 : i32
          %dma_start3A_374 = tpu.memref_slice %arg8[%add3A_367, %dma_start3A_373] : memref<160x128xi32, #tpu.memory_space<vmem>> -> memref<1x128xi32, #tpu.memory_space<vmem>>
          %dma_start3A_375 = tpu.memref_squeeze %dma_start3A_374 : memref<1x128xi32, #tpu.memory_space<vmem>> -> memref<128xi32, #tpu.memory_space<vmem>>
          %dma_start3A_376 = arith.constant 0 : i32
          %dma_start3A_377 = arith.constant 0 : i32
          %dma_start3A_378 = tpu.memref_slice %arg6[%dma_start3A_376, %dma_start3A_377] : memref<10240x16xf32, #tpu.memory_space<vmem_shared>> -> memref<10240x16xf32, #tpu.memory_space<vmem_shared>>
          tpu.enqueue_indirect_dma source(%dma_start3A_378 : memref<10240x16xf32, #tpu.memory_space<vmem_shared>>) target(%dma_start3A_372 : memref<128x16xf32, #tpu.memory_space<vmem>>) offsets(%dma_start3A_375 : memref<128xi32, #tpu.memory_space<vmem>>) semaphore(%arg16 : memref<!tpu.dma_semaphore, #tpu.memory_space<semaphore_mem>>)
          %add3A_379 = arith.constant 3 : i32
          %add3A_380 = arith.addi %mul3A_339, %add3A_379 : i32
          %dma_start3A_381 = arith.constant 3 : i32
          %dma_start3A_382 = arith.constant 0 : i32
          %dma_start3A_383 = arith.constant 0 : i32
          %dma_start3A_384 = tpu.memref_slice %arg10[%dma_start3A_381, %dma_start3A_382, %dma_start3A_383] : memref<8x128x16xf32, #tpu.memory_space<vmem>> -> memref<1x128x16xf32, #tpu.memory_space<vmem>>
          %dma_start3A_385 = tpu.memref_squeeze %dma_start3A_384 : memref<1x128x16xf32, #tpu.memory_space<vmem>> -> memref<128x16xf32, #tpu.memory_space<vmem>>
          %dma_start3A_386 = arith.constant 0 : i32
          %dma_start3A_387 = tpu.memref_slice %arg8[%add3A_380, %dma_start3A_386] : memref<160x128xi32, #tpu.memory_space<vmem>> -> memref<1x128xi32, #tpu.memory_space<vmem>>
          %dma_start3A_388 = tpu.memref_squeeze %dma_start3A_387 : memref<1x128xi32, #tpu.memory_space<vmem>> -> memref<128xi32, #tpu.memory_space<vmem>>
          %dma_start3A_389 = arith.constant 0 : i32
          %dma_start3A_390 = arith.constant 0 : i32
          %dma_start3A_391 = tpu.memref_slice %arg6[%dma_start3A_389, %dma_start3A_390] : memref<10240x16xf32, #tpu.memory_space<vmem_shared>> -> memref<10240x16xf32, #tpu.memory_space<vmem_shared>>
          tpu.enqueue_indirect_dma source(%dma_start3A_391 : memref<10240x16xf32, #tpu.memory_space<vmem_shared>>) target(%dma_start3A_385 : memref<128x16xf32, #tpu.memory_space<vmem>>) offsets(%dma_start3A_388 : memref<128xi32, #tpu.memory_space<vmem>>) semaphore(%arg16 : memref<!tpu.dma_semaphore, #tpu.memory_space<semaphore_mem>>)
        } else {
        }
        %eq3A_261 = arith.constant 0 : i32
        %eq3A_262 = arith.cmpi eq, %select_n3A_233, %eq3A_261 : i32
        %convert_element_type3A_263 = arith.extui %eq3A_262 : i1 to i32
        %cond3A_264 = arith.constant 0 : i32
        %cond3A_265 = arith.cmpi ne, %convert_element_type3A_263, %cond3A_264 : i32
        scf.if %cond3A_265 {
          %dma_wait3A_336 = arith.constant 0 : i32
          %dma_wait3A_337 = arith.constant 0 : i32
          %dma_wait3A_338 = arith.constant 0 : i32
          %dma_wait3A_339 = arith.constant 0 : i32
          %dma_wait3A_340 = tpu.memref_slice %arg10[%dma_wait3A_337, %dma_wait3A_338, %dma_wait3A_339] : memref<8x128x16xf32, #tpu.memory_space<vmem>> -> memref<1x128x16xf32, #tpu.memory_space<vmem>>
          %dma_wait3A_341 = tpu.memref_squeeze %dma_wait3A_340 : memref<1x128x16xf32, #tpu.memory_space<vmem>> -> memref<128x16xf32, #tpu.memory_space<vmem>>
          %dma_wait3A_342 = arith.constant 0 : i32
          %dma_wait3A_343 = tpu.memref_slice %arg8[%dma_wait3A_336, %dma_wait3A_342] : memref<160x128xi32, #tpu.memory_space<vmem>> -> memref<1x128xi32, #tpu.memory_space<vmem>>
          %dma_wait3A_344 = tpu.memref_squeeze %dma_wait3A_343 : memref<1x128xi32, #tpu.memory_space<vmem>> -> memref<128xi32, #tpu.memory_space<vmem>>
          %dma_wait3A_345 = arith.constant 0 : i32
          %dma_wait3A_346 = arith.constant 0 : i32
          %dma_wait3A_347 = tpu.memref_slice %arg6[%dma_wait3A_345, %dma_wait3A_346] : memref<10240x16xf32, #tpu.memory_space<vmem_shared>> -> memref<10240x16xf32, #tpu.memory_space<vmem_shared>>
          tpu.wait_indirect_dma semaphore(%arg16 : memref<!tpu.dma_semaphore, #tpu.memory_space<semaphore_mem>>) src(%dma_wait3A_347 : memref<10240x16xf32, #tpu.memory_space<vmem_shared>>) dst(%dma_wait3A_341 : memref<128x16xf32, #tpu.memory_space<vmem>>)
          %dma_wait3A_348 = arith.constant 0 : i32
          %dma_wait3A_349 = arith.constant 0 : i32
          %dma_wait3A_350 = arith.constant 0 : i32
          %dma_wait3A_351 = arith.constant 0 : i32
          %dma_wait3A_352 = tpu.memref_slice %arg10[%dma_wait3A_349, %dma_wait3A_350, %dma_wait3A_351] : memref<8x128x16xf32, #tpu.memory_space<vmem>> -> memref<1x128x16xf32, #tpu.memory_space<vmem>>
          %dma_wait3A_353 = tpu.memref_squeeze %dma_wait3A_352 : memref<1x128x16xf32, #tpu.memory_space<vmem>> -> memref<128x16xf32, #tpu.memory_space<vmem>>
          %dma_wait3A_354 = arith.constant 0 : i32
          %dma_wait3A_355 = tpu.memref_slice %arg8[%dma_wait3A_348, %dma_wait3A_354] : memref<160x128xi32, #tpu.memory_space<vmem>> -> memref<1x128xi32, #tpu.memory_space<vmem>>
          %dma_wait3A_356 = tpu.memref_squeeze %dma_wait3A_355 : memref<1x128xi32, #tpu.memory_space<vmem>> -> memref<128xi32, #tpu.memory_space<vmem>>
          %dma_wait3A_357 = arith.constant 0 : i32
          %dma_wait3A_358 = arith.constant 0 : i32
          %dma_wait3A_359 = tpu.memref_slice %arg6[%dma_wait3A_357, %dma_wait3A_358] : memref<10240x16xf32, #tpu.memory_space<vmem_shared>> -> memref<10240x16xf32, #tpu.memory_space<vmem_shared>>
          tpu.wait_indirect_dma semaphore(%arg16 : memref<!tpu.dma_semaphore, #tpu.memory_space<semaphore_mem>>) src(%dma_wait3A_359 : memref<10240x16xf32, #tpu.memory_space<vmem_shared>>) dst(%dma_wait3A_353 : memref<128x16xf32, #tpu.memory_space<vmem>>)
          %dma_wait3A_360 = arith.constant 0 : i32
          %dma_wait3A_361 = arith.constant 0 : i32
          %dma_wait3A_362 = arith.constant 0 : i32
          %dma_wait3A_363 = arith.constant 0 : i32
          %dma_wait3A_364 = tpu.memref_slice %arg10[%dma_wait3A_361, %dma_wait3A_362, %dma_wait3A_363] : memref<8x128x16xf32, #tpu.memory_space<vmem>> -> memref<1x128x16xf32, #tpu.memory_space<vmem>>
          %dma_wait3A_365 = tpu.memref_squeeze %dma_wait3A_364 : memref<1x128x16xf32, #tpu.memory_space<vmem>> -> memref<128x16xf32, #tpu.memory_space<vmem>>
          %dma_wait3A_366 = arith.constant 0 : i32
          %dma_wait3A_367 = tpu.memref_slice %arg8[%dma_wait3A_360, %dma_wait3A_366] : memref<160x128xi32, #tpu.memory_space<vmem>> -> memref<1x128xi32, #tpu.memory_space<vmem>>
          %dma_wait3A_368 = tpu.memref_squeeze %dma_wait3A_367 : memref<1x128xi32, #tpu.memory_space<vmem>> -> memref<128xi32, #tpu.memory_space<vmem>>
          %dma_wait3A_369 = arith.constant 0 : i32
          %dma_wait3A_370 = arith.constant 0 : i32
          %dma_wait3A_371 = tpu.memref_slice %arg6[%dma_wait3A_369, %dma_wait3A_370] : memref<10240x16xf32, #tpu.memory_space<vmem_shared>> -> memref<10240x16xf32, #tpu.memory_space<vmem_shared>>
          tpu.wait_indirect_dma semaphore(%arg16 : memref<!tpu.dma_semaphore, #tpu.memory_space<semaphore_mem>>) src(%dma_wait3A_371 : memref<10240x16xf32, #tpu.memory_space<vmem_shared>>) dst(%dma_wait3A_365 : memref<128x16xf32, #tpu.memory_space<vmem>>)
          %dma_wait3A_372 = arith.constant 0 : i32
          %dma_wait3A_373 = arith.constant 0 : i32
          %dma_wait3A_374 = arith.constant 0 : i32
          %dma_wait3A_375 = arith.constant 0 : i32
          %dma_wait3A_376 = tpu.memref_slice %arg10[%dma_wait3A_373, %dma_wait3A_374, %dma_wait3A_375] : memref<8x128x16xf32, #tpu.memory_space<vmem>> -> memref<1x128x16xf32, #tpu.memory_space<vmem>>
          %dma_wait3A_377 = tpu.memref_squeeze %dma_wait3A_376 : memref<1x128x16xf32, #tpu.memory_space<vmem>> -> memref<128x16xf32, #tpu.memory_space<vmem>>
          %dma_wait3A_378 = arith.constant 0 : i32
          %dma_wait3A_379 = tpu.memref_slice %arg8[%dma_wait3A_372, %dma_wait3A_378] : memref<160x128xi32, #tpu.memory_space<vmem>> -> memref<1x128xi32, #tpu.memory_space<vmem>>
          %dma_wait3A_380 = tpu.memref_squeeze %dma_wait3A_379 : memref<1x128xi32, #tpu.memory_space<vmem>> -> memref<128xi32, #tpu.memory_space<vmem>>
          %dma_wait3A_381 = arith.constant 0 : i32
          %dma_wait3A_382 = arith.constant 0 : i32
          %dma_wait3A_383 = tpu.memref_slice %arg6[%dma_wait3A_381, %dma_wait3A_382] : memref<10240x16xf32, #tpu.memory_space<vmem_shared>> -> memref<10240x16xf32, #tpu.memory_space<vmem_shared>>
          tpu.wait_indirect_dma semaphore(%arg16 : memref<!tpu.dma_semaphore, #tpu.memory_space<semaphore_mem>>) src(%dma_wait3A_383 : memref<10240x16xf32, #tpu.memory_space<vmem_shared>>) dst(%dma_wait3A_377 : memref<128x16xf32, #tpu.memory_space<vmem>>)
        } else {
        }
        %eq3A_266 = arith.constant 1 : i32
        %eq3A_267 = arith.cmpi eq, %select_n3A_233, %eq3A_266 : i32
        %convert_element_type3A_268 = arith.extui %eq3A_267 : i1 to i32
        %cond3A_269 = arith.constant 0 : i32
        %cond3A_270 = arith.cmpi ne, %convert_element_type3A_268, %cond3A_269 : i32
        scf.if %cond3A_270 {
          %dma_wait3A_336 = arith.constant 0 : i32
          %dma_wait3A_337 = arith.constant 0 : i32
          %dma_wait3A_338 = arith.constant 0 : i32
          %dma_wait3A_339 = arith.constant 0 : i32
          %dma_wait3A_340 = tpu.memref_slice %arg10[%dma_wait3A_337, %dma_wait3A_338, %dma_wait3A_339] : memref<8x128x16xf32, #tpu.memory_space<vmem>> -> memref<1x128x16xf32, #tpu.memory_space<vmem>>
          %dma_wait3A_341 = tpu.memref_squeeze %dma_wait3A_340 : memref<1x128x16xf32, #tpu.memory_space<vmem>> -> memref<128x16xf32, #tpu.memory_space<vmem>>
          %dma_wait3A_342 = arith.constant 0 : i32
          %dma_wait3A_343 = tpu.memref_slice %arg8[%dma_wait3A_336, %dma_wait3A_342] : memref<160x128xi32, #tpu.memory_space<vmem>> -> memref<1x128xi32, #tpu.memory_space<vmem>>
          %dma_wait3A_344 = tpu.memref_squeeze %dma_wait3A_343 : memref<1x128xi32, #tpu.memory_space<vmem>> -> memref<128xi32, #tpu.memory_space<vmem>>
          %dma_wait3A_345 = arith.constant 0 : i32
          %dma_wait3A_346 = arith.constant 0 : i32
          %dma_wait3A_347 = tpu.memref_slice %arg6[%dma_wait3A_345, %dma_wait3A_346] : memref<10240x16xf32, #tpu.memory_space<vmem_shared>> -> memref<10240x16xf32, #tpu.memory_space<vmem_shared>>
          tpu.wait_indirect_dma semaphore(%arg17 : memref<!tpu.dma_semaphore, #tpu.memory_space<semaphore_mem>>) src(%dma_wait3A_347 : memref<10240x16xf32, #tpu.memory_space<vmem_shared>>) dst(%dma_wait3A_341 : memref<128x16xf32, #tpu.memory_space<vmem>>)
          %dma_wait3A_348 = arith.constant 0 : i32
          %dma_wait3A_349 = arith.constant 0 : i32
          %dma_wait3A_350 = arith.constant 0 : i32
          %dma_wait3A_351 = arith.constant 0 : i32
          %dma_wait3A_352 = tpu.memref_slice %arg10[%dma_wait3A_349, %dma_wait3A_350, %dma_wait3A_351] : memref<8x128x16xf32, #tpu.memory_space<vmem>> -> memref<1x128x16xf32, #tpu.memory_space<vmem>>
          %dma_wait3A_353 = tpu.memref_squeeze %dma_wait3A_352 : memref<1x128x16xf32, #tpu.memory_space<vmem>> -> memref<128x16xf32, #tpu.memory_space<vmem>>
          %dma_wait3A_354 = arith.constant 0 : i32
          %dma_wait3A_355 = tpu.memref_slice %arg8[%dma_wait3A_348, %dma_wait3A_354] : memref<160x128xi32, #tpu.memory_space<vmem>> -> memref<1x128xi32, #tpu.memory_space<vmem>>
          %dma_wait3A_356 = tpu.memref_squeeze %dma_wait3A_355 : memref<1x128xi32, #tpu.memory_space<vmem>> -> memref<128xi32, #tpu.memory_space<vmem>>
          %dma_wait3A_357 = arith.constant 0 : i32
          %dma_wait3A_358 = arith.constant 0 : i32
          %dma_wait3A_359 = tpu.memref_slice %arg6[%dma_wait3A_357, %dma_wait3A_358] : memref<10240x16xf32, #tpu.memory_space<vmem_shared>> -> memref<10240x16xf32, #tpu.memory_space<vmem_shared>>
          tpu.wait_indirect_dma semaphore(%arg17 : memref<!tpu.dma_semaphore, #tpu.memory_space<semaphore_mem>>) src(%dma_wait3A_359 : memref<10240x16xf32, #tpu.memory_space<vmem_shared>>) dst(%dma_wait3A_353 : memref<128x16xf32, #tpu.memory_space<vmem>>)
          %dma_wait3A_360 = arith.constant 0 : i32
          %dma_wait3A_361 = arith.constant 0 : i32
          %dma_wait3A_362 = arith.constant 0 : i32
          %dma_wait3A_363 = arith.constant 0 : i32
          %dma_wait3A_364 = tpu.memref_slice %arg10[%dma_wait3A_361, %dma_wait3A_362, %dma_wait3A_363] : memref<8x128x16xf32, #tpu.memory_space<vmem>> -> memref<1x128x16xf32, #tpu.memory_space<vmem>>
          %dma_wait3A_365 = tpu.memref_squeeze %dma_wait3A_364 : memref<1x128x16xf32, #tpu.memory_space<vmem>> -> memref<128x16xf32, #tpu.memory_space<vmem>>
          %dma_wait3A_366 = arith.constant 0 : i32
          %dma_wait3A_367 = tpu.memref_slice %arg8[%dma_wait3A_360, %dma_wait3A_366] : memref<160x128xi32, #tpu.memory_space<vmem>> -> memref<1x128xi32, #tpu.memory_space<vmem>>
          %dma_wait3A_368 = tpu.memref_squeeze %dma_wait3A_367 : memref<1x128xi32, #tpu.memory_space<vmem>> -> memref<128xi32, #tpu.memory_space<vmem>>
          %dma_wait3A_369 = arith.constant 0 : i32
          %dma_wait3A_370 = arith.constant 0 : i32
          %dma_wait3A_371 = tpu.memref_slice %arg6[%dma_wait3A_369, %dma_wait3A_370] : memref<10240x16xf32, #tpu.memory_space<vmem_shared>> -> memref<10240x16xf32, #tpu.memory_space<vmem_shared>>
          tpu.wait_indirect_dma semaphore(%arg17 : memref<!tpu.dma_semaphore, #tpu.memory_space<semaphore_mem>>) src(%dma_wait3A_371 : memref<10240x16xf32, #tpu.memory_space<vmem_shared>>) dst(%dma_wait3A_365 : memref<128x16xf32, #tpu.memory_space<vmem>>)
          %dma_wait3A_372 = arith.constant 0 : i32
          %dma_wait3A_373 = arith.constant 0 : i32
          %dma_wait3A_374 = arith.constant 0 : i32
          %dma_wait3A_375 = arith.constant 0 : i32
          %dma_wait3A_376 = tpu.memref_slice %arg10[%dma_wait3A_373, %dma_wait3A_374, %dma_wait3A_375] : memref<8x128x16xf32, #tpu.memory_space<vmem>> -> memref<1x128x16xf32, #tpu.memory_space<vmem>>
          %dma_wait3A_377 = tpu.memref_squeeze %dma_wait3A_376 : memref<1x128x16xf32, #tpu.memory_space<vmem>> -> memref<128x16xf32, #tpu.memory_space<vmem>>
          %dma_wait3A_378 = arith.constant 0 : i32
          %dma_wait3A_379 = tpu.memref_slice %arg8[%dma_wait3A_372, %dma_wait3A_378] : memref<160x128xi32, #tpu.memory_space<vmem>> -> memref<1x128xi32, #tpu.memory_space<vmem>>
          %dma_wait3A_380 = tpu.memref_squeeze %dma_wait3A_379 : memref<1x128xi32, #tpu.memory_space<vmem>> -> memref<128xi32, #tpu.memory_space<vmem>>
          %dma_wait3A_381 = arith.constant 0 : i32
          %dma_wait3A_382 = arith.constant 0 : i32
          %dma_wait3A_383 = tpu.memref_slice %arg6[%dma_wait3A_381, %dma_wait3A_382] : memref<10240x16xf32, #tpu.memory_space<vmem_shared>> -> memref<10240x16xf32, #tpu.memory_space<vmem_shared>>
          tpu.wait_indirect_dma semaphore(%arg17 : memref<!tpu.dma_semaphore, #tpu.memory_space<semaphore_mem>>) src(%dma_wait3A_383 : memref<10240x16xf32, #tpu.memory_space<vmem_shared>>) dst(%dma_wait3A_377 : memref<128x16xf32, #tpu.memory_space<vmem>>)
        } else {
        }
        %add3A_271 = arith.constant 0 : i32
        %add3A_272 = arith.addi %mul3A_235, %add3A_271 : i32
        %mul3A_273 = arith.constant 4 : i32
        %mul3A_274 = arith.muli %scan3A_222, %mul3A_273 : i32
        %add3A_275 = arith.constant 0 : i32
        %add3A_276 = arith.addi %mul3A_274, %add3A_275 : i32
        %dma_start3A_277 = arith.constant 0 : i32
        %dma_start3A_278 = arith.constant 0 : i32
        %dma_start3A_279 = tpu.memref_slice %arg10[%add3A_272, %dma_start3A_277, %dma_start3A_278] : memref<8x128x16xf32, #tpu.memory_space<vmem>> -> memref<1x128x16xf32, #tpu.memory_space<vmem>>
        %dma_start3A_280 = tpu.memref_squeeze %dma_start3A_279 : memref<1x128x16xf32, #tpu.memory_space<vmem>> -> memref<128x16xf32, #tpu.memory_space<vmem>>
        %dma_start3A_281 = arith.constant 0 : i32
        %dma_start3A_282 = tpu.memref_slice %arg9[%add3A_276, %dma_start3A_281] : memref<160x128xi32, #tpu.memory_space<vmem>> -> memref<1x128xi32, #tpu.memory_space<vmem>>
        %dma_start3A_283 = tpu.memref_squeeze %dma_start3A_282 : memref<1x128xi32, #tpu.memory_space<vmem>> -> memref<128xi32, #tpu.memory_space<vmem>>
        %dma_start3A_284 = arith.constant 0 : i32
        %dma_start3A_285 = arith.constant 0 : i32
        %dma_start3A_286 = tpu.memref_slice %arg7[%dma_start3A_284, %dma_start3A_285] : memref<10240x16xf32, #tpu.memory_space<vmem_shared>> -> memref<10240x16xf32, #tpu.memory_space<vmem_shared>>
        tpu.enqueue_indirect_dma source(%dma_start3A_280 : memref<128x16xf32, #tpu.memory_space<vmem>>) target(%dma_start3A_286 : memref<10240x16xf32, #tpu.memory_space<vmem_shared>>) offsets(%dma_start3A_283 : memref<128xi32, #tpu.memory_space<vmem>>) semaphore(%arg18 : memref<!tpu.dma_semaphore, #tpu.memory_space<semaphore_mem>>) {add = true}
        %add3A_287 = arith.constant 1 : i32
        %add3A_288 = arith.addi %mul3A_235, %add3A_287 : i32
        %mul3A_289 = arith.constant 4 : i32
        %mul3A_290 = arith.muli %scan3A_222, %mul3A_289 : i32
        %add3A_291 = arith.constant 1 : i32
        %add3A_292 = arith.addi %mul3A_290, %add3A_291 : i32
        %dma_start3A_293 = arith.constant 0 : i32
        %dma_start3A_294 = arith.constant 0 : i32
        %dma_start3A_295 = tpu.memref_slice %arg10[%add3A_288, %dma_start3A_293, %dma_start3A_294] : memref<8x128x16xf32, #tpu.memory_space<vmem>> -> memref<1x128x16xf32, #tpu.memory_space<vmem>>
        %dma_start3A_296 = tpu.memref_squeeze %dma_start3A_295 : memref<1x128x16xf32, #tpu.memory_space<vmem>> -> memref<128x16xf32, #tpu.memory_space<vmem>>
        %dma_start3A_297 = arith.constant 0 : i32
        %dma_start3A_298 = tpu.memref_slice %arg9[%add3A_292, %dma_start3A_297] : memref<160x128xi32, #tpu.memory_space<vmem>> -> memref<1x128xi32, #tpu.memory_space<vmem>>
        %dma_start3A_299 = tpu.memref_squeeze %dma_start3A_298 : memref<1x128xi32, #tpu.memory_space<vmem>> -> memref<128xi32, #tpu.memory_space<vmem>>
        %dma_start3A_300 = arith.constant 0 : i32
        %dma_start3A_301 = arith.constant 0 : i32
        %dma_start3A_302 = tpu.memref_slice %arg7[%dma_start3A_300, %dma_start3A_301] : memref<10240x16xf32, #tpu.memory_space<vmem_shared>> -> memref<10240x16xf32, #tpu.memory_space<vmem_shared>>
        tpu.enqueue_indirect_dma source(%dma_start3A_296 : memref<128x16xf32, #tpu.memory_space<vmem>>) target(%dma_start3A_302 : memref<10240x16xf32, #tpu.memory_space<vmem_shared>>) offsets(%dma_start3A_299 : memref<128xi32, #tpu.memory_space<vmem>>) semaphore(%arg18 : memref<!tpu.dma_semaphore, #tpu.memory_space<semaphore_mem>>) {add = true}
        %add3A_303 = arith.constant 2 : i32
        %add3A_304 = arith.addi %mul3A_235, %add3A_303 : i32
        %mul3A_305 = arith.constant 4 : i32
        %mul3A_306 = arith.muli %scan3A_222, %mul3A_305 : i32
        %add3A_307 = arith.constant 2 : i32
        %add3A_308 = arith.addi %mul3A_306, %add3A_307 : i32
        %dma_start3A_309 = arith.constant 0 : i32
        %dma_start3A_310 = arith.constant 0 : i32
        %dma_start3A_311 = tpu.memref_slice %arg10[%add3A_304, %dma_start3A_309, %dma_start3A_310] : memref<8x128x16xf32, #tpu.memory_space<vmem>> -> memref<1x128x16xf32, #tpu.memory_space<vmem>>
        %dma_start3A_312 = tpu.memref_squeeze %dma_start3A_311 : memref<1x128x16xf32, #tpu.memory_space<vmem>> -> memref<128x16xf32, #tpu.memory_space<vmem>>
        %dma_start3A_313 = arith.constant 0 : i32
        %dma_start3A_314 = tpu.memref_slice %arg9[%add3A_308, %dma_start3A_313] : memref<160x128xi32, #tpu.memory_space<vmem>> -> memref<1x128xi32, #tpu.memory_space<vmem>>
        %dma_start3A_315 = tpu.memref_squeeze %dma_start3A_314 : memref<1x128xi32, #tpu.memory_space<vmem>> -> memref<128xi32, #tpu.memory_space<vmem>>
        %dma_start3A_316 = arith.constant 0 : i32
        %dma_start3A_317 = arith.constant 0 : i32
        %dma_start3A_318 = tpu.memref_slice %arg7[%dma_start3A_316, %dma_start3A_317] : memref<10240x16xf32, #tpu.memory_space<vmem_shared>> -> memref<10240x16xf32, #tpu.memory_space<vmem_shared>>
        tpu.enqueue_indirect_dma source(%dma_start3A_312 : memref<128x16xf32, #tpu.memory_space<vmem>>) target(%dma_start3A_318 : memref<10240x16xf32, #tpu.memory_space<vmem_shared>>) offsets(%dma_start3A_315 : memref<128xi32, #tpu.memory_space<vmem>>) semaphore(%arg18 : memref<!tpu.dma_semaphore, #tpu.memory_space<semaphore_mem>>) {add = true}
        %add3A_319 = arith.constant 3 : i32
        %add3A_320 = arith.addi %mul3A_235, %add3A_319 : i32
        %mul3A_321 = arith.constant 4 : i32
        %mul3A_322 = arith.muli %scan3A_222, %mul3A_321 : i32
        %add3A_323 = arith.constant 3 : i32
        %add3A_324 = arith.addi %mul3A_322, %add3A_323 : i32
        %dma_start3A_325 = arith.constant 0 : i32
        %dma_start3A_326 = arith.constant 0 : i32
        %dma_start3A_327 = tpu.memref_slice %arg10[%add3A_320, %dma_start3A_325, %dma_start3A_326] : memref<8x128x16xf32, #tpu.memory_space<vmem>> -> memref<1x128x16xf32, #tpu.memory_space<vmem>>
        %dma_start3A_328 = tpu.memref_squeeze %dma_start3A_327 : memref<1x128x16xf32, #tpu.memory_space<vmem>> -> memref<128x16xf32, #tpu.memory_space<vmem>>
        %dma_start3A_329 = arith.constant 0 : i32
        %dma_start3A_330 = tpu.memref_slice %arg9[%add3A_324, %dma_start3A_329] : memref<160x128xi32, #tpu.memory_space<vmem>> -> memref<1x128xi32, #tpu.memory_space<vmem>>
        %dma_start3A_331 = tpu.memref_squeeze %dma_start3A_330 : memref<1x128xi32, #tpu.memory_space<vmem>> -> memref<128xi32, #tpu.memory_space<vmem>>
        %dma_start3A_332 = arith.constant 0 : i32
        %dma_start3A_333 = arith.constant 0 : i32
        %dma_start3A_334 = tpu.memref_slice %arg7[%dma_start3A_332, %dma_start3A_333] : memref<10240x16xf32, #tpu.memory_space<vmem_shared>> -> memref<10240x16xf32, #tpu.memory_space<vmem_shared>>
        tpu.enqueue_indirect_dma source(%dma_start3A_328 : memref<128x16xf32, #tpu.memory_space<vmem>>) target(%dma_start3A_334 : memref<10240x16xf32, #tpu.memory_space<vmem_shared>>) offsets(%dma_start3A_331 : memref<128xi32, #tpu.memory_space<vmem>>) semaphore(%arg18 : memref<!tpu.dma_semaphore, #tpu.memory_space<semaphore_mem>>) {add = true}
        %scan3A_335 = arith.constant 0 : i32
        scf.yield %scan3A_335 : i32
      }
      %scan3A_157 = arith.constant 40 : i32
      %dma_wait3A_158 = arith.constant 0 : i32
      %dma_wait3A_159 = arith.constant 0 : i32
      %dma_wait3A_160 = arith.constant 0 : i32
      %dma_wait3A_161 = arith.constant 0 : i32
      %dma_wait3A_162 = tpu.memref_slice %arg10[%dma_wait3A_159, %dma_wait3A_160, %dma_wait3A_161] : memref<8x128x16xf32, #tpu.memory_space<vmem>> -> memref<1x128x16xf32, #tpu.memory_space<vmem>>
      %dma_wait3A_163 = tpu.memref_squeeze %dma_wait3A_162 : memref<1x128x16xf32, #tpu.memory_space<vmem>> -> memref<128x16xf32, #tpu.memory_space<vmem>>
      %dma_wait3A_164 = arith.constant 0 : i32
      %dma_wait3A_165 = tpu.memref_slice %arg8[%dma_wait3A_158, %dma_wait3A_164] : memref<160x128xi32, #tpu.memory_space<vmem>> -> memref<1x128xi32, #tpu.memory_space<vmem>>
      %dma_wait3A_166 = tpu.memref_squeeze %dma_wait3A_165 : memref<1x128xi32, #tpu.memory_space<vmem>> -> memref<128xi32, #tpu.memory_space<vmem>>
      %dma_wait3A_167 = arith.constant 0 : i32
      %dma_wait3A_168 = arith.constant 0 : i32
      %dma_wait3A_169 = tpu.memref_slice %arg6[%dma_wait3A_167, %dma_wait3A_168] : memref<10240x16xf32, #tpu.memory_space<vmem_shared>> -> memref<10240x16xf32, #tpu.memory_space<vmem_shared>>
      tpu.wait_indirect_dma semaphore(%arg18 : memref<!tpu.dma_semaphore, #tpu.memory_space<semaphore_mem>>) src(%dma_wait3A_169 : memref<10240x16xf32, #tpu.memory_space<vmem_shared>>) dst(%dma_wait3A_163 : memref<128x16xf32, #tpu.memory_space<vmem>>)
      %dma_wait3A_170 = arith.constant 0 : i32
      %dma_wait3A_171 = arith.constant 0 : i32
      %dma_wait3A_172 = arith.constant 0 : i32
      %dma_wait3A_173 = arith.constant 0 : i32
      %dma_wait3A_174 = tpu.memref_slice %arg10[%dma_wait3A_171, %dma_wait3A_172, %dma_wait3A_173] : memref<8x128x16xf32, #tpu.memory_space<vmem>> -> memref<1x128x16xf32, #tpu.memory_space<vmem>>
      %dma_wait3A_175 = tpu.memref_squeeze %dma_wait3A_174 : memref<1x128x16xf32, #tpu.memory_space<vmem>> -> memref<128x16xf32, #tpu.memory_space<vmem>>
      %dma_wait3A_176 = arith.constant 0 : i32
      %dma_wait3A_177 = tpu.memref_slice %arg8[%dma_wait3A_170, %dma_wait3A_176] : memref<160x128xi32, #tpu.memory_space<vmem>> -> memref<1x128xi32, #tpu.memory_space<vmem>>
      %dma_wait3A_178 = tpu.memref_squeeze %dma_wait3A_177 : memref<1x128xi32, #tpu.memory_space<vmem>> -> memref<128xi32, #tpu.memory_space<vmem>>
      %dma_wait3A_179 = arith.constant 0 : i32
      %dma_wait3A_180 = arith.constant 0 : i32
      %dma_wait3A_181 = tpu.memref_slice %arg6[%dma_wait3A_179, %dma_wait3A_180] : memref<10240x16xf32, #tpu.memory_space<vmem_shared>> -> memref<10240x16xf32, #tpu.memory_space<vmem_shared>>
      tpu.wait_indirect_dma semaphore(%arg18 : memref<!tpu.dma_semaphore, #tpu.memory_space<semaphore_mem>>) src(%dma_wait3A_181 : memref<10240x16xf32, #tpu.memory_space<vmem_shared>>) dst(%dma_wait3A_175 : memref<128x16xf32, #tpu.memory_space<vmem>>)
      %dma_wait3A_182 = arith.constant 0 : i32
      %dma_wait3A_183 = arith.constant 0 : i32
      %dma_wait3A_184 = arith.constant 0 : i32
      %dma_wait3A_185 = arith.constant 0 : i32
      %dma_wait3A_186 = tpu.memref_slice %arg10[%dma_wait3A_183, %dma_wait3A_184, %dma_wait3A_185] : memref<8x128x16xf32, #tpu.memory_space<vmem>> -> memref<1x128x16xf32, #tpu.memory_space<vmem>>
      %dma_wait3A_187 = tpu.memref_squeeze %dma_wait3A_186 : memref<1x128x16xf32, #tpu.memory_space<vmem>> -> memref<128x16xf32, #tpu.memory_space<vmem>>
      %dma_wait3A_188 = arith.constant 0 : i32
      %dma_wait3A_189 = tpu.memref_slice %arg8[%dma_wait3A_182, %dma_wait3A_188] : memref<160x128xi32, #tpu.memory_space<vmem>> -> memref<1x128xi32, #tpu.memory_space<vmem>>
      %dma_wait3A_190 = tpu.memref_squeeze %dma_wait3A_189 : memref<1x128xi32, #tpu.memory_space<vmem>> -> memref<128xi32, #tpu.memory_space<vmem>>
      %dma_wait3A_191 = arith.constant 0 : i32
      %dma_wait3A_192 = arith.constant 0 : i32
      %dma_wait3A_193 = tpu.memref_slice %arg6[%dma_wait3A_191, %dma_wait3A_192] : memref<10240x16xf32, #tpu.memory_space<vmem_shared>> -> memref<10240x16xf32, #tpu.memory_space<vmem_shared>>
      tpu.wait_indirect_dma semaphore(%arg18 : memref<!tpu.dma_semaphore, #tpu.memory_space<semaphore_mem>>) src(%dma_wait3A_193 : memref<10240x16xf32, #tpu.memory_space<vmem_shared>>) dst(%dma_wait3A_187 : memref<128x16xf32, #tpu.memory_space<vmem>>)
      %dma_wait3A_194 = arith.constant 0 : i32
      %dma_wait3A_195 = arith.constant 0 : i32
      %dma_wait3A_196 = arith.constant 0 : i32
      %dma_wait3A_197 = arith.constant 0 : i32
      %dma_wait3A_198 = tpu.memref_slice %arg10[%dma_wait3A_195, %dma_wait3A_196, %dma_wait3A_197] : memref<8x128x16xf32, #tpu.memory_space<vmem>> -> memref<1x128x16xf32, #tpu.memory_space<vmem>>
      %dma_wait3A_199 = tpu.memref_squeeze %dma_wait3A_198 : memref<1x128x16xf32, #tpu.memory_space<vmem>> -> memref<128x16xf32, #tpu.memory_space<vmem>>
      %dma_wait3A_200 = arith.constant 0 : i32
      %dma_wait3A_201 = tpu.memref_slice %arg8[%dma_wait3A_194, %dma_wait3A_200] : memref<160x128xi32, #tpu.memory_space<vmem>> -> memref<1x128xi32, #tpu.memory_space<vmem>>
      %dma_wait3A_202 = tpu.memref_squeeze %dma_wait3A_201 : memref<1x128xi32, #tpu.memory_space<vmem>> -> memref<128xi32, #tpu.memory_space<vmem>>
      %dma_wait3A_203 = arith.constant 0 : i32
      %dma_wait3A_204 = arith.constant 0 : i32
      %dma_wait3A_205 = tpu.memref_slice %arg6[%dma_wait3A_203, %dma_wait3A_204] : memref<10240x16xf32, #tpu.memory_space<vmem_shared>> -> memref<10240x16xf32, #tpu.memory_space<vmem_shared>>
      tpu.wait_indirect_dma semaphore(%arg18 : memref<!tpu.dma_semaphore, #tpu.memory_space<semaphore_mem>>) src(%dma_wait3A_205 : memref<10240x16xf32, #tpu.memory_space<vmem_shared>>) dst(%dma_wait3A_199 : memref<128x16xf32, #tpu.memory_space<vmem>>)
      %barrier3A_206 = arith.constant 0 : index
      tpu.barrier barrier_id(%barrier3A_206)
      "tpu.region"() ({
        %run_scoped3A = tpu.sem_alloc : memref<!tpu.dma_semaphore, #tpu.memory_space<semaphore_mem>>
        %dma_start3A_222 = arith.constant 0 : i32
        %dma_start3A_223 = tpu.memref_slice %arg7[%mul3A_0, %dma_start3A_222] : memref<10240x16xf32, #tpu.memory_space<vmem_shared>> -> memref<640x16xf32, #tpu.memory_space<vmem_shared>>
        %dma_start3A_224 = arith.constant 0 : i32
        %dma_start3A_225 = tpu.memref_slice %arg7[%mul3A_0, %dma_start3A_224] : memref<10240x16xf32, #tpu.memory_space<vmem_shared>> -> memref<640x16xf32, #tpu.memory_space<vmem_shared>>
        tpu.enqueue_dma source(%dma_start3A_225 : memref<640x16xf32, #tpu.memory_space<vmem_shared>>) target(%arg12 : memref<640x16xf32, #tpu.memory_space<vmem>>) target_semaphore(%run_scoped3A : memref<!tpu.dma_semaphore, #tpu.memory_space<semaphore_mem>>)
        %dma_wait3A_226 = arith.constant 0 : i32
        %dma_wait3A_227 = tpu.memref_slice %arg7[%mul3A_0, %dma_wait3A_226] : memref<10240x16xf32, #tpu.memory_space<vmem_shared>> -> memref<640x16xf32, #tpu.memory_space<vmem_shared>>
        %dma_wait3A_228 = arith.constant 0 : i32
        %dma_wait3A_229 = tpu.memref_slice %arg7[%mul3A_0, %dma_wait3A_228] : memref<10240x16xf32, #tpu.memory_space<vmem_shared>> -> memref<640x16xf32, #tpu.memory_space<vmem_shared>>
        tpu.wait_dma2 semaphore(%run_scoped3A : memref<!tpu.dma_semaphore, #tpu.memory_space<semaphore_mem>>) src(%dma_wait3A_229 : memref<640x16xf32, #tpu.memory_space<vmem_shared>>) dst(%arg12 : memref<640x16xf32, #tpu.memory_space<vmem>>)
        tpu.yield
      }) : () -> ()
      %scan3A_207 = arith.constant 0 : i32
      %scan3A_208 = arith.constant 0 : i32
      %scan3A_209 = arith.constant 10 : i32
      %scan3A_210 = arith.addi %scan3A_208, %scan3A_209 : i32
      %scan3A_211 = arith.constant 1 : i32
      %scan3A_212 = scf.for %scan3A_222 = %scan3A_208 to %scan3A_210 step %scan3A_211 iter_args(%scan3A_223 = %scan3A_207) -> (i32)  : i32 {
        %mul3A_224 = arith.constant 64 : i32
        %mul3A_225 = arith.muli %scan3A_222, %mul3A_224 : i32
        %add3A_226 = arith.addi %mul3A_0, %mul3A_225 : i32
        "tpu.region"() ({
          %run_scoped3A = tpu.sem_alloc : memref<!tpu.dma_semaphore, #tpu.memory_space<semaphore_mem>>
          %dma_start3A_228 = arith.constant 0 : i32
          %dma_start3A_229 = tpu.memref_slice %arg7[%add3A_226, %dma_start3A_228] : memref<10240x16xf32, #tpu.memory_space<vmem_shared>> -> memref<64x16xf32, #tpu.memory_space<vmem_shared>>
          %dma_start3A_230 = arith.constant 0 : i32
          %dma_start3A_231 = tpu.memref_slice %arg7[%add3A_226, %dma_start3A_230] : memref<10240x16xf32, #tpu.memory_space<vmem_shared>> -> memref<64x16xf32, #tpu.memory_space<vmem_shared>>
          tpu.enqueue_dma source(%arg11 : memref<64x16xf32, #tpu.memory_space<vmem>>) target(%dma_start3A_231 : memref<64x16xf32, #tpu.memory_space<vmem_shared>>) target_semaphore(%run_scoped3A : memref<!tpu.dma_semaphore, #tpu.memory_space<semaphore_mem>>)
          %dma_wait3A_232 = arith.constant 0 : i32
          %dma_wait3A_233 = tpu.memref_slice %arg7[%add3A_226, %dma_wait3A_232] : memref<10240x16xf32, #tpu.memory_space<vmem_shared>> -> memref<64x16xf32, #tpu.memory_space<vmem_shared>>
          %dma_wait3A_234 = arith.constant 0 : i32
          %dma_wait3A_235 = tpu.memref_slice %arg7[%add3A_226, %dma_wait3A_234] : memref<10240x16xf32, #tpu.memory_space<vmem_shared>> -> memref<64x16xf32, #tpu.memory_space<vmem_shared>>
          tpu.wait_dma2 semaphore(%run_scoped3A : memref<!tpu.dma_semaphore, #tpu.memory_space<semaphore_mem>>) src(%arg11 : memref<64x16xf32, #tpu.memory_space<vmem>>) dst(%dma_wait3A_235 : memref<64x16xf32, #tpu.memory_space<vmem_shared>>)
          tpu.yield
        }) : () -> ()
        %scan3A_227 = arith.constant 0 : i32
        scf.yield %scan3A_227 : i32
      }
      %scan3A_213 = arith.constant 10 : i32
      %eq3A = arith.constant 9 : i32
      %eq3A_214 = arith.cmpi eq, %scan3A_102, %eq3A : i32
      %not3A = arith.constant true
      %not3A_215 = arith.xori %eq3A_214, %not3A : i1
      %convert_element_type3A = arith.extui %not3A_215 : i1 to i32
      %cond3A = arith.constant 0 : i32
      %cond3A_216 = arith.cmpi ne, %convert_element_type3A, %cond3A : i32
      scf.if %cond3A_216 {
        %scan3A_222 = arith.constant 0 : i32
        %scan3A_223 = arith.constant 0 : i32
        %scan3A_224 = arith.constant 160 : i32
        %scan3A_225 = arith.addi %scan3A_223, %scan3A_224 : i32
        %scan3A_226 = arith.constant 1 : i32
        %scan3A_227 = scf.for %scan3A_229 = %scan3A_223 to %scan3A_225 step %scan3A_226 iter_args(%scan3A_230 = %scan3A_222) -> (i32)  : i32 {
          %mul3A_231 = arith.constant 4 : i32
          %mul3A_232 = arith.muli %scan3A_229, %mul3A_231 : i32
          %add3A_233 = arith.constant 0 : i32
          %add3A_234 = arith.addi %mul3A_232, %add3A_233 : i32
          %get3A = arith.index_cast %add3A_234 : i32 to index
          %get3A_235 = arith.constant 0 : index
          %get3A_236 = tpu.vector_load %arg14[%get3A, %get3A_235] {strides = array<i32>} : memref<640x16xf32, #tpu.memory_space<vmem>>, vector<1x16xf32>,
          %get3A_237 = vector.shape_cast %get3A_236 : vector<1x16xf32> to vector<16xf32>
          %add3A_238 = arith.constant 0 : i32
          %add3A_239 = arith.addi %mul3A_232, %add3A_238 : i32
          %get3A_240 = arith.index_cast %add3A_239 : i32 to index
          %get3A_241 = arith.constant 0 : index
          %get3A_242 = tpu.vector_load %arg12[%get3A_240, %get3A_241] {strides = array<i32>} : memref<640x16xf32, #tpu.memory_space<vmem>>, vector<1x16xf32>,
          %get3A_243 = vector.shape_cast %get3A_242 : vector<1x16xf32> to vector<16xf32>
          %add3A_244 = arith.constant 0 : i32
          %add3A_245 = arith.addi %mul3A_232, %add3A_244 : i32
          %get3A_246 = arith.index_cast %add3A_245 : i32 to index
          %get3A_247 = arith.constant 0 : index
          %get3A_248 = tpu.vector_load %arg13[%get3A_246, %get3A_247] {strides = array<i32>} : memref<640x16xf32, #tpu.memory_space<vmem>>, vector<1x16xf32>,
          %get3A_249 = vector.shape_cast %get3A_248 : vector<1x16xf32> to vector<16xf32>
          %add3A_250 = arith.addf %get3A_243, %get3A_249 : vector<16xf32>
          %mul3A_251 = arith.mulf %get3A_237, %add3A_250 : vector<16xf32>
          %add3A_252 = arith.constant 0 : i32
          %add3A_253 = arith.addi %mul3A_232, %add3A_252 : i32
          %get3A_254 = arith.index_cast %add3A_253 : i32 to index
          %get3A_255 = arith.constant 0 : index
          %get3A_256 = tpu.vector_load %arg15[%get3A_254, %get3A_255] {strides = array<i32>} : memref<640x16xf32, #tpu.memory_space<vmem>>, vector<1x16xf32>,
          %get3A_257 = vector.shape_cast %get3A_256 : vector<1x16xf32> to vector<16xf32>
          %add3A_258 = arith.addf %mul3A_251, %get3A_257 : vector<16xf32>
          %add3A_259 = arith.constant 0 : i32
          %add3A_260 = arith.addi %mul3A_232, %add3A_259 : i32
          %swap3A = arith.index_cast %add3A_260 : i32 to index
          %swap3A_261 = arith.constant 0 : index
          %swap3A_262 = tpu.vector_load %arg13[%swap3A, %swap3A_261] {strides = array<i32>} : memref<640x16xf32, #tpu.memory_space<vmem>>, vector<1x16xf32>,
          %swap3A_263 = vector.shape_cast %swap3A_262 : vector<1x16xf32> to vector<16xf32>
          %swap3A_264 = vector.shape_cast %add3A_258 : vector<16xf32> to vector<1x16xf32>
          tpu.vector_store %arg13[%swap3A, %swap3A_261], %swap3A_264 {strides = array<i32>} : memref<640x16xf32, #tpu.memory_space<vmem>>, vector<1x16xf32>,
          %add3A_265 = arith.constant 1 : i32
          %add3A_266 = arith.addi %mul3A_232, %add3A_265 : i32
          %get3A_267 = arith.index_cast %add3A_266 : i32 to index
          %get3A_268 = arith.constant 0 : index
          %get3A_269 = tpu.vector_load %arg14[%get3A_267, %get3A_268] {strides = array<i32>} : memref<640x16xf32, #tpu.memory_space<vmem>>, vector<1x16xf32>,
          %get3A_270 = vector.shape_cast %get3A_269 : vector<1x16xf32> to vector<16xf32>
          %add3A_271 = arith.constant 1 : i32
          %add3A_272 = arith.addi %mul3A_232, %add3A_271 : i32
          %get3A_273 = arith.index_cast %add3A_272 : i32 to index
          %get3A_274 = arith.constant 0 : index
          %get3A_275 = tpu.vector_load %arg12[%get3A_273, %get3A_274] {strides = array<i32>} : memref<640x16xf32, #tpu.memory_space<vmem>>, vector<1x16xf32>,
          %get3A_276 = vector.shape_cast %get3A_275 : vector<1x16xf32> to vector<16xf32>
          %add3A_277 = arith.constant 1 : i32
          %add3A_278 = arith.addi %mul3A_232, %add3A_277 : i32
          %get3A_279 = arith.index_cast %add3A_278 : i32 to index
          %get3A_280 = arith.constant 0 : index
          %get3A_281 = tpu.vector_load %arg13[%get3A_279, %get3A_280] {strides = array<i32>} : memref<640x16xf32, #tpu.memory_space<vmem>>, vector<1x16xf32>,
          %get3A_282 = vector.shape_cast %get3A_281 : vector<1x16xf32> to vector<16xf32>
          %add3A_283 = arith.addf %get3A_276, %get3A_282 : vector<16xf32>
          %mul3A_284 = arith.mulf %get3A_270, %add3A_283 : vector<16xf32>
          %add3A_285 = arith.constant 1 : i32
          %add3A_286 = arith.addi %mul3A_232, %add3A_285 : i32
          %get3A_287 = arith.index_cast %add3A_286 : i32 to index
          %get3A_288 = arith.constant 0 : index
          %get3A_289 = tpu.vector_load %arg15[%get3A_287, %get3A_288] {strides = array<i32>} : memref<640x16xf32, #tpu.memory_space<vmem>>, vector<1x16xf32>,
          %get3A_290 = vector.shape_cast %get3A_289 : vector<1x16xf32> to vector<16xf32>
          %add3A_291 = arith.addf %mul3A_284, %get3A_290 : vector<16xf32>
          %add3A_292 = arith.constant 1 : i32
          %add3A_293 = arith.addi %mul3A_232, %add3A_292 : i32
          %swap3A_294 = arith.index_cast %add3A_293 : i32 to index
          %swap3A_295 = arith.constant 0 : index
          %swap3A_296 = tpu.vector_load %arg13[%swap3A_294, %swap3A_295] {strides = array<i32>} : memref<640x16xf32, #tpu.memory_space<vmem>>, vector<1x16xf32>,
          %swap3A_297 = vector.shape_cast %swap3A_296 : vector<1x16xf32> to vector<16xf32>
          %swap3A_298 = vector.shape_cast %add3A_291 : vector<16xf32> to vector<1x16xf32>
          tpu.vector_store %arg13[%swap3A_294, %swap3A_295], %swap3A_298 {strides = array<i32>} : memref<640x16xf32, #tpu.memory_space<vmem>>, vector<1x16xf32>,
          %add3A_299 = arith.constant 2 : i32
          %add3A_300 = arith.addi %mul3A_232, %add3A_299 : i32
          %get3A_301 = arith.index_cast %add3A_300 : i32 to index
          %get3A_302 = arith.constant 0 : index
          %get3A_303 = tpu.vector_load %arg14[%get3A_301, %get3A_302] {strides = array<i32>} : memref<640x16xf32, #tpu.memory_space<vmem>>, vector<1x16xf32>,
          %get3A_304 = vector.shape_cast %get3A_303 : vector<1x16xf32> to vector<16xf32>
          %add3A_305 = arith.constant 2 : i32
          %add3A_306 = arith.addi %mul3A_232, %add3A_305 : i32
          %get3A_307 = arith.index_cast %add3A_306 : i32 to index
          %get3A_308 = arith.constant 0 : index
          %get3A_309 = tpu.vector_load %arg12[%get3A_307, %get3A_308] {strides = array<i32>} : memref<640x16xf32, #tpu.memory_space<vmem>>, vector<1x16xf32>,
          %get3A_310 = vector.shape_cast %get3A_309 : vector<1x16xf32> to vector<16xf32>
          %add3A_311 = arith.constant 2 : i32
          %add3A_312 = arith.addi %mul3A_232, %add3A_311 : i32
          %get3A_313 = arith.index_cast %add3A_312 : i32 to index
          %get3A_314 = arith.constant 0 : index
          %get3A_315 = tpu.vector_load %arg13[%get3A_313, %get3A_314] {strides = array<i32>} : memref<640x16xf32, #tpu.memory_space<vmem>>, vector<1x16xf32>,
          %get3A_316 = vector.shape_cast %get3A_315 : vector<1x16xf32> to vector<16xf32>
          %add3A_317 = arith.addf %get3A_310, %get3A_316 : vector<16xf32>
          %mul3A_318 = arith.mulf %get3A_304, %add3A_317 : vector<16xf32>
          %add3A_319 = arith.constant 2 : i32
          %add3A_320 = arith.addi %mul3A_232, %add3A_319 : i32
          %get3A_321 = arith.index_cast %add3A_320 : i32 to index
          %get3A_322 = arith.constant 0 : index
          %get3A_323 = tpu.vector_load %arg15[%get3A_321, %get3A_322] {strides = array<i32>} : memref<640x16xf32, #tpu.memory_space<vmem>>, vector<1x16xf32>,
          %get3A_324 = vector.shape_cast %get3A_323 : vector<1x16xf32> to vector<16xf32>
          %add3A_325 = arith.addf %mul3A_318, %get3A_324 : vector<16xf32>
          %add3A_326 = arith.constant 2 : i32
          %add3A_327 = arith.addi %mul3A_232, %add3A_326 : i32
          %swap3A_328 = arith.index_cast %add3A_327 : i32 to index
          %swap3A_329 = arith.constant 0 : index
          %swap3A_330 = tpu.vector_load %arg13[%swap3A_328, %swap3A_329] {strides = array<i32>} : memref<640x16xf32, #tpu.memory_space<vmem>>, vector<1x16xf32>,
          %swap3A_331 = vector.shape_cast %swap3A_330 : vector<1x16xf32> to vector<16xf32>
          %swap3A_332 = vector.shape_cast %add3A_325 : vector<16xf32> to vector<1x16xf32>
          tpu.vector_store %arg13[%swap3A_328, %swap3A_329], %swap3A_332 {strides = array<i32>} : memref<640x16xf32, #tpu.memory_space<vmem>>, vector<1x16xf32>,
          %add3A_333 = arith.constant 3 : i32
          %add3A_334 = arith.addi %mul3A_232, %add3A_333 : i32
          %get3A_335 = arith.index_cast %add3A_334 : i32 to index
          %get3A_336 = arith.constant 0 : index
          %get3A_337 = tpu.vector_load %arg14[%get3A_335, %get3A_336] {strides = array<i32>} : memref<640x16xf32, #tpu.memory_space<vmem>>, vector<1x16xf32>,
          %get3A_338 = vector.shape_cast %get3A_337 : vector<1x16xf32> to vector<16xf32>
          %add3A_339 = arith.constant 3 : i32
          %add3A_340 = arith.addi %mul3A_232, %add3A_339 : i32
          %get3A_341 = arith.index_cast %add3A_340 : i32 to index
          %get3A_342 = arith.constant 0 : index
          %get3A_343 = tpu.vector_load %arg12[%get3A_341, %get3A_342] {strides = array<i32>} : memref<640x16xf32, #tpu.memory_space<vmem>>, vector<1x16xf32>,
          %get3A_344 = vector.shape_cast %get3A_343 : vector<1x16xf32> to vector<16xf32>
          %add3A_345 = arith.constant 3 : i32
          %add3A_346 = arith.addi %mul3A_232, %add3A_345 : i32
          %get3A_347 = arith.index_cast %add3A_346 : i32 to index
          %get3A_348 = arith.constant 0 : index
          %get3A_349 = tpu.vector_load %arg13[%get3A_347, %get3A_348] {strides = array<i32>} : memref<640x16xf32, #tpu.memory_space<vmem>>, vector<1x16xf32>,
          %get3A_350 = vector.shape_cast %get3A_349 : vector<1x16xf32> to vector<16xf32>
          %add3A_351 = arith.addf %get3A_344, %get3A_350 : vector<16xf32>
          %mul3A_352 = arith.mulf %get3A_338, %add3A_351 : vector<16xf32>
          %add3A_353 = arith.constant 3 : i32
          %add3A_354 = arith.addi %mul3A_232, %add3A_353 : i32
          %get3A_355 = arith.index_cast %add3A_354 : i32 to index
          %get3A_356 = arith.constant 0 : index
          %get3A_357 = tpu.vector_load %arg15[%get3A_355, %get3A_356] {strides = array<i32>} : memref<640x16xf32, #tpu.memory_space<vmem>>, vector<1x16xf32>,
          %get3A_358 = vector.shape_cast %get3A_357 : vector<1x16xf32> to vector<16xf32>
          %add3A_359 = arith.addf %mul3A_352, %get3A_358 : vector<16xf32>
          %add3A_360 = arith.constant 3 : i32
          %add3A_361 = arith.addi %mul3A_232, %add3A_360 : i32
          %swap3A_362 = arith.index_cast %add3A_361 : i32 to index
          %swap3A_363 = arith.constant 0 : index
          %swap3A_364 = tpu.vector_load %arg13[%swap3A_362, %swap3A_363] {strides = array<i32>} : memref<640x16xf32, #tpu.memory_space<vmem>>, vector<1x16xf32>,
          %swap3A_365 = vector.shape_cast %swap3A_364 : vector<1x16xf32> to vector<16xf32>
          %swap3A_366 = vector.shape_cast %add3A_359 : vector<16xf32> to vector<1x16xf32>
          tpu.vector_store %arg13[%swap3A_362, %swap3A_363], %swap3A_366 {strides = array<i32>} : memref<640x16xf32, #tpu.memory_space<vmem>>, vector<1x16xf32>,
          %scan3A_367 = arith.constant 0 : i32
          scf.yield %scan3A_367 : i32
        }
        %scan3A_228 = arith.constant 160 : i32
      } else {
      }
      %convert_element_type3A_217 = arith.extui %eq3A_214 : i1 to i32
      %cond3A_218 = arith.constant 0 : i32
      %cond3A_219 = arith.cmpi ne, %convert_element_type3A_217, %cond3A_218 : i32
      scf.if %cond3A_219 {
        %scan3A_222 = arith.constant 0 : i32
        %scan3A_223 = arith.constant 0 : i32
        %scan3A_224 = arith.constant 640 : i32
        %scan3A_225 = arith.addi %scan3A_223, %scan3A_224 : i32
        %scan3A_226 = arith.constant 1 : i32
        %scan3A_227 = scf.for %scan3A_229 = %scan3A_223 to %scan3A_225 step %scan3A_226 iter_args(%scan3A_230 = %scan3A_222) -> (i32)  : i32 {
          %get3A = arith.index_cast %scan3A_229 : i32 to index
          %get3A_231 = arith.constant 0 : index
          %get3A_232 = tpu.vector_load %arg14[%get3A, %get3A_231] {strides = array<i32>} : memref<640x16xf32, #tpu.memory_space<vmem>>, vector<1x16xf32>,
          %get3A_233 = vector.shape_cast %get3A_232 : vector<1x16xf32> to vector<16xf32>
          %bitcast_convert_type3A = tpu.bitcast %get3A_233 : vector<16xf32> -> vector<16xi32>
          %shift_right_arithmetic3A = arith.constant 1 : i32
          %shift_right_arithmetic3A_234 = vector.broadcast %shift_right_arithmetic3A : i32 to vector<16xi32>
          %shift_right_arithmetic3A_235 = arith.shrsi %bitcast_convert_type3A, %shift_right_arithmetic3A_234 : vector<16xi32>
          %sub3A = arith.constant 1597463007 : i32
          %sub3A_236 = vector.broadcast %sub3A : i32 to vector<16xi32>
          %sub3A_237 = arith.subi %sub3A_236, %shift_right_arithmetic3A_235 : vector<16xi32>
          %bitcast_convert_type3A_238 = tpu.bitcast %sub3A_237 : vector<16xi32> -> vector<16xf32>
          %mul3A_239 = arith.constant 5.000000e-01 : f32
          %mul3A_240 = vector.broadcast %mul3A_239 : f32 to vector<16xf32>
          %mul3A_241 = arith.mulf %mul3A_240, %get3A_233 : vector<16xf32>
          %mul3A_242 = arith.mulf %mul3A_241, %bitcast_convert_type3A_238 : vector<16xf32>
          %mul3A_243 = arith.mulf %mul3A_242, %bitcast_convert_type3A_238 : vector<16xf32>
          %sub3A_244 = arith.constant 1.500000e+00 : f32
          %sub3A_245 = vector.broadcast %sub3A_244 : f32 to vector<16xf32>
          %sub3A_246 = arith.subf %sub3A_245, %mul3A_243 : vector<16xf32>
          %mul3A_247 = arith.mulf %bitcast_convert_type3A_238, %sub3A_246 : vector<16xf32>
          %mul3A_248 = arith.constant 5.000000e-01 : f32
          %mul3A_249 = vector.broadcast %mul3A_248 : f32 to vector<16xf32>
          %mul3A_250 = arith.mulf %mul3A_249, %get3A_233 : vector<16xf32>
          %mul3A_251 = arith.mulf %mul3A_250, %mul3A_247 : vector<16xf32>
          %mul3A_252 = arith.mulf %mul3A_251, %mul3A_247 : vector<16xf32>
          %sub3A_253 = arith.constant 1.500000e+00 : f32
          %sub3A_254 = vector.broadcast %sub3A_253 : f32 to vector<16xf32>
          %sub3A_255 = arith.subf %sub3A_254, %mul3A_252 : vector<16xf32>
          %mul3A_256 = arith.mulf %mul3A_247, %sub3A_255 : vector<16xf32>
          %mul3A_257 = arith.constant 5.000000e-01 : f32
          %mul3A_258 = vector.broadcast %mul3A_257 : f32 to vector<16xf32>
          %mul3A_259 = arith.mulf %mul3A_258, %get3A_233 : vector<16xf32>
          %mul3A_260 = arith.mulf %mul3A_259, %mul3A_256 : vector<16xf32>
          %mul3A_261 = arith.mulf %mul3A_260, %mul3A_256 : vector<16xf32>
          %sub3A_262 = arith.constant 1.500000e+00 : f32
          %sub3A_263 = vector.broadcast %sub3A_262 : f32 to vector<16xf32>
          %sub3A_264 = arith.subf %sub3A_263, %mul3A_261 : vector<16xf32>
          %mul3A_265 = arith.mulf %mul3A_256, %sub3A_264 : vector<16xf32>
          %get3A_266 = arith.index_cast %scan3A_229 : i32 to index
          %get3A_267 = arith.constant 0 : index
          %get3A_268 = tpu.vector_load %arg14[%get3A_266, %get3A_267] {strides = array<i32>} : memref<640x16xf32, #tpu.memory_space<vmem>>, vector<1x16xf32>,
          %get3A_269 = vector.shape_cast %get3A_268 : vector<1x16xf32> to vector<16xf32>
          %mul3A_270 = arith.constant 0.948683321 : f32
          %mul3A_271 = vector.broadcast %mul3A_270 : f32 to vector<16xf32>
          %mul3A_272 = arith.mulf %mul3A_271, %get3A_269 : vector<16xf32>
          %mul3A_273 = arith.mulf %mul3A_272, %mul3A_265 : vector<16xf32>
          %get3A_274 = arith.index_cast %scan3A_229 : i32 to index
          %get3A_275 = arith.constant 0 : index
          %get3A_276 = tpu.vector_load %arg15[%get3A_274, %get3A_275] {strides = array<i32>} : memref<640x16xf32, #tpu.memory_space<vmem>>, vector<1x16xf32>,
          %get3A_277 = vector.shape_cast %get3A_276 : vector<1x16xf32> to vector<16xf32>
          %mul3A_278 = arith.constant 0.948683321 : f32
          %mul3A_279 = vector.broadcast %mul3A_278 : f32 to vector<16xf32>
          %mul3A_280 = arith.mulf %mul3A_279, %get3A_277 : vector<16xf32>
          %mul3A_281 = arith.mulf %mul3A_280, %mul3A_265 : vector<16xf32>
          %get3A_282 = arith.index_cast %scan3A_229 : i32 to index
          %get3A_283 = arith.constant 0 : index
          %get3A_284 = tpu.vector_load %arg12[%get3A_282, %get3A_283] {strides = array<i32>} : memref<640x16xf32, #tpu.memory_space<vmem>>, vector<1x16xf32>,
          %get3A_285 = vector.shape_cast %get3A_284 : vector<1x16xf32> to vector<16xf32>
          %get3A_286 = arith.index_cast %scan3A_229 : i32 to index
          %get3A_287 = arith.constant 0 : index
          %get3A_288 = tpu.vector_load %arg13[%get3A_286, %get3A_287] {strides = array<i32>} : memref<640x16xf32, #tpu.memory_space<vmem>>, vector<1x16xf32>,
          %get3A_289 = vector.shape_cast %get3A_288 : vector<1x16xf32> to vector<16xf32>
          %add3A_290 = arith.addf %get3A_285, %get3A_289 : vector<16xf32>
          %mul3A_291 = arith.mulf %mul3A_273, %add3A_290 : vector<16xf32>
          %add3A_292 = arith.addf %mul3A_291, %mul3A_281 : vector<16xf32>
          %swap3A = arith.index_cast %scan3A_229 : i32 to index
          %swap3A_293 = arith.constant 0 : index
          %swap3A_294 = tpu.vector_load %arg13[%swap3A, %swap3A_293] {strides = array<i32>} : memref<640x16xf32, #tpu.memory_space<vmem>>, vector<1x16xf32>,
          %swap3A_295 = vector.shape_cast %swap3A_294 : vector<1x16xf32> to vector<16xf32>
          %swap3A_296 = vector.shape_cast %add3A_292 : vector<16xf32> to vector<1x16xf32>
          tpu.vector_store %arg13[%swap3A, %swap3A_293], %swap3A_296 {strides = array<i32>} : memref<640x16xf32, #tpu.memory_space<vmem>>, vector<1x16xf32>,
          %scan3A_297 = arith.constant 0 : i32
          scf.yield %scan3A_297 : i32
        }
        %scan3A_228 = arith.constant 640 : i32
      } else {
      }
      "tpu.region"() ({
        %run_scoped3A = tpu.sem_alloc : memref<!tpu.dma_semaphore, #tpu.memory_space<semaphore_mem>>
        %dma_start3A_222 = arith.constant 0 : i32
        %dma_start3A_223 = tpu.memref_slice %arg6[%mul3A_0, %dma_start3A_222] : memref<10240x16xf32, #tpu.memory_space<vmem_shared>> -> memref<640x16xf32, #tpu.memory_space<vmem_shared>>
        %dma_start3A_224 = arith.constant 0 : i32
        %dma_start3A_225 = tpu.memref_slice %arg6[%mul3A_0, %dma_start3A_224] : memref<10240x16xf32, #tpu.memory_space<vmem_shared>> -> memref<640x16xf32, #tpu.memory_space<vmem_shared>>
        tpu.enqueue_dma source(%arg13 : memref<640x16xf32, #tpu.memory_space<vmem>>) target(%dma_start3A_225 : memref<640x16xf32, #tpu.memory_space<vmem_shared>>) target_semaphore(%run_scoped3A : memref<!tpu.dma_semaphore, #tpu.memory_space<semaphore_mem>>)
        %dma_wait3A_226 = arith.constant 0 : i32
        %dma_wait3A_227 = tpu.memref_slice %arg6[%mul3A_0, %dma_wait3A_226] : memref<10240x16xf32, #tpu.memory_space<vmem_shared>> -> memref<640x16xf32, #tpu.memory_space<vmem_shared>>
        %dma_wait3A_228 = arith.constant 0 : i32
        %dma_wait3A_229 = tpu.memref_slice %arg6[%mul3A_0, %dma_wait3A_228] : memref<10240x16xf32, #tpu.memory_space<vmem_shared>> -> memref<640x16xf32, #tpu.memory_space<vmem_shared>>
        tpu.wait_dma2 semaphore(%run_scoped3A : memref<!tpu.dma_semaphore, #tpu.memory_space<semaphore_mem>>) src(%arg13 : memref<640x16xf32, #tpu.memory_space<vmem>>) dst(%dma_wait3A_229 : memref<640x16xf32, #tpu.memory_space<vmem_shared>>)
        tpu.yield
      }) : () -> ()
      %barrier3A_220 = arith.constant 0 : index
      tpu.barrier barrier_id(%barrier3A_220)
      %scan3A_221 = arith.constant 0 : i32
      scf.yield %scan3A_221 : i32
    }
    %scan3A_97 = arith.constant 10 : i32
    %mul3A_98 = arith.constant 5120 : i32
    %mul3A_99 = arith.muli %arg0, %mul3A_98 : i32
    %mul3A_100 = arith.constant 320 : i32
    %mul3A_101 = arith.muli %arg1, %mul3A_100 : i32
    %add3A = arith.addi %mul3A_99, %mul3A_101 : i32
    "tpu.region"() ({
      %run_scoped3A = tpu.sem_alloc : memref<!tpu.dma_semaphore, #tpu.memory_space<semaphore_mem>>
      %dma_start3A = arith.constant 0 : i32
      %dma_start3A_102 = arith.constant 0 : i32
      %dma_start3A_103 = tpu.memref_slice %arg12[%dma_start3A, %dma_start3A_102] : memref<640x16xf32, #tpu.memory_space<vmem>> -> memref<320x16xf32, #tpu.memory_space<vmem>>
      %dma_start3A_104 = arith.constant 0 : i32
      %dma_start3A_105 = tpu.memref_slice %arg6[%add3A, %dma_start3A_104] : memref<10240x16xf32, #tpu.memory_space<vmem_shared>> -> memref<320x16xf32, #tpu.memory_space<vmem_shared>>
      %dma_start3A_106 = arith.constant 0 : i32
      %dma_start3A_107 = arith.constant 0 : i32
      %dma_start3A_108 = tpu.memref_slice %arg12[%dma_start3A_106, %dma_start3A_107] : memref<640x16xf32, #tpu.memory_space<vmem>> -> memref<320x16xf32, #tpu.memory_space<vmem>>
      %dma_start3A_109 = arith.constant 0 : i32
      %dma_start3A_110 = tpu.memref_slice %arg6[%add3A, %dma_start3A_109] : memref<10240x16xf32, #tpu.memory_space<vmem_shared>> -> memref<320x16xf32, #tpu.memory_space<vmem_shared>>
      tpu.enqueue_dma source(%dma_start3A_110 : memref<320x16xf32, #tpu.memory_space<vmem_shared>>) target(%dma_start3A_108 : memref<320x16xf32, #tpu.memory_space<vmem>>) target_semaphore(%run_scoped3A : memref<!tpu.dma_semaphore, #tpu.memory_space<semaphore_mem>>)
      %dma_wait3A_111 = arith.constant 0 : i32
      %dma_wait3A_112 = arith.constant 0 : i32
      %dma_wait3A_113 = tpu.memref_slice %arg12[%dma_wait3A_111, %dma_wait3A_112] : memref<640x16xf32, #tpu.memory_space<vmem>> -> memref<320x16xf32, #tpu.memory_space<vmem>>
      %dma_wait3A_114 = arith.constant 0 : i32
      %dma_wait3A_115 = tpu.memref_slice %arg6[%add3A, %dma_wait3A_114] : memref<10240x16xf32, #tpu.memory_space<vmem_shared>> -> memref<320x16xf32, #tpu.memory_space<vmem_shared>>
      %dma_wait3A_116 = arith.constant 0 : i32
      %dma_wait3A_117 = arith.constant 0 : i32
      %dma_wait3A_118 = tpu.memref_slice %arg12[%dma_wait3A_116, %dma_wait3A_117] : memref<640x16xf32, #tpu.memory_space<vmem>> -> memref<320x16xf32, #tpu.memory_space<vmem>>
      %dma_wait3A_119 = arith.constant 0 : i32
      %dma_wait3A_120 = tpu.memref_slice %arg6[%add3A, %dma_wait3A_119] : memref<10240x16xf32, #tpu.memory_space<vmem_shared>> -> memref<320x16xf32, #tpu.memory_space<vmem_shared>>
      tpu.wait_dma2 semaphore(%run_scoped3A : memref<!tpu.dma_semaphore, #tpu.memory_space<semaphore_mem>>) src(%dma_wait3A_120 : memref<320x16xf32, #tpu.memory_space<vmem_shared>>) dst(%dma_wait3A_118 : memref<320x16xf32, #tpu.memory_space<vmem>>)
      tpu.yield
    }) : () -> ()
    "tpu.region"() ({
      %run_scoped3A = tpu.sem_alloc : memref<!tpu.dma_semaphore, #tpu.memory_space<semaphore_mem>>
      %dma_start3A = arith.constant 0 : i32
      %dma_start3A_102 = arith.constant 0 : i32
      %dma_start3A_103 = tpu.memref_slice %arg12[%dma_start3A, %dma_start3A_102] : memref<640x16xf32, #tpu.memory_space<vmem>> -> memref<320x16xf32, #tpu.memory_space<vmem>>
      %dma_start3A_104 = arith.constant 0 : i32
      %dma_start3A_105 = tpu.memref_slice %arg5[%add3A, %dma_start3A_104] : memref<10240x16xf32, #tpu.memory_space<hbm>> -> memref<320x16xf32, #tpu.memory_space<hbm>>
      %dma_start3A_106 = arith.constant 0 : i32
      %dma_start3A_107 = tpu.memref_slice %arg5[%add3A, %dma_start3A_106] : memref<10240x16xf32, #tpu.memory_space<hbm>> -> memref<320x16xf32, #tpu.memory_space<hbm>>
      %dma_start3A_108 = arith.constant 0 : i32
      %dma_start3A_109 = arith.constant 0 : i32
      %dma_start3A_110 = tpu.memref_slice %arg12[%dma_start3A_108, %dma_start3A_109] : memref<640x16xf32, #tpu.memory_space<vmem>> -> memref<320x16xf32, #tpu.memory_space<vmem>>
      tpu.enqueue_dma source(%dma_start3A_110 : memref<320x16xf32, #tpu.memory_space<vmem>>) target(%dma_start3A_107 : memref<320x16xf32, #tpu.memory_space<hbm>>) target_semaphore(%run_scoped3A : memref<!tpu.dma_semaphore, #tpu.memory_space<semaphore_mem>>)
      %dma_wait3A_111 = arith.constant 0 : i32
      %dma_wait3A_112 = arith.constant 0 : i32
      %dma_wait3A_113 = tpu.memref_slice %arg12[%dma_wait3A_111, %dma_wait3A_112] : memref<640x16xf32, #tpu.memory_space<vmem>> -> memref<320x16xf32, #tpu.memory_space<vmem>>
      %dma_wait3A_114 = arith.constant 0 : i32
      %dma_wait3A_115 = tpu.memref_slice %arg5[%add3A, %dma_wait3A_114] : memref<10240x16xf32, #tpu.memory_space<hbm>> -> memref<320x16xf32, #tpu.memory_space<hbm>>
      %dma_wait3A_116 = arith.constant 0 : i32
      %dma_wait3A_117 = tpu.memref_slice %arg5[%add3A, %dma_wait3A_116] : memref<10240x16xf32, #tpu.memory_space<hbm>> -> memref<320x16xf32, #tpu.memory_space<hbm>>
      %dma_wait3A_118 = arith.constant 0 : i32
      %dma_wait3A_119 = arith.constant 0 : i32
      %dma_wait3A_120 = tpu.memref_slice %arg12[%dma_wait3A_118, %dma_wait3A_119] : memref<640x16xf32, #tpu.memory_space<vmem>> -> memref<320x16xf32, #tpu.memory_space<vmem>>
      tpu.wait_dma2 semaphore(%run_scoped3A : memref<!tpu.dma_semaphore, #tpu.memory_space<semaphore_mem>>) src(%dma_wait3A_120 : memref<320x16xf32, #tpu.memory_space<vmem>>) dst(%dma_wait3A_117 : memref<320x16xf32, #tpu.memory_space<hbm>>)
      tpu.yield
    }) : () -> ()
    return
  }
}

module attributes {stable_mosaic.version = 14 : i64} {
  func.func @_local_body(%arg0: i32, %arg1: memref<256x128xf32, #tpu.memory_space<vmem>>, %arg2: memref<128x64xf32, #tpu.memory_space<vmem>>, %arg3: memref<64x16xf32, #tpu.memory_space<vmem>>, %arg4: memref<256x16xf32, #tpu.memory_space<vmem>>) attributes {dimension_semantics = [#tpu.dimension_semantics<arbitrary>], iteration_bounds = array<i64: 40>, scalar_prefetch = 0 : i64, scratch_operands = 0 : i64, tpu.core_type = #tpu.core_type<tc>, window_params = [{transform_indices = @transform_0, window_bounds = array<i64: 256, 128>}, {pipeline_mode = #tpu.pipeline_mode<synchronous>, transform_indices = @transform_1, window_bounds = array<i64: 128, 64>}, {pipeline_mode = #tpu.pipeline_mode<synchronous>, transform_indices = @transform_2, window_bounds = array<i64: 64, 16>}, {transform_indices = @transform_3, window_bounds = array<i64: 256, 16>}]} {
    %get3A = arith.constant 0 : index
    %get3A_0 = arith.constant 0 : index
    %get3A_1 = vector.load %arg1[%get3A, %get3A_0] : memref<256x128xf32, #tpu.memory_space<vmem>>, vector<256x128xf32>
    %get3A_2 = arith.constant 0 : index
    %get3A_3 = arith.constant 0 : index
    %get3A_4 = vector.load %arg2[%get3A_2, %get3A_3] : memref<128x64xf32, #tpu.memory_space<vmem>>, vector<128x64xf32>
    %dot_general3A = arith.constant dense<0.000000e+00> : vector<256x64xf32>
    %dot_general3A_5 = tpu.matmul %get3A_1, %get3A_4, %dot_general3A {dimension_numbers = #tpu.dot_dimension_numbers<[1], [0], [0], [1], [0, 0, 1, 1], [], []>, transpose_lhs_hint = false} : vector<256x128xf32>, vector<128x64xf32>, vector<256x64xf32> -> vector<256x64xf32>
    %tanh3A = math.tanh %dot_general3A_5 : vector<256x64xf32>
    %get3A_6 = arith.constant 0 : index
    %get3A_7 = arith.constant 0 : index
    %get3A_8 = vector.load %arg3[%get3A_6, %get3A_7] : memref<64x16xf32, #tpu.memory_space<vmem>>, vector<64x16xf32>
    %dot_general3A_9 = arith.constant dense<0.000000e+00> : vector<256x16xf32>
    %dot_general3A_10 = tpu.matmul %tanh3A, %get3A_8, %dot_general3A_9 {dimension_numbers = #tpu.dot_dimension_numbers<[1], [0], [0], [1], [0, 0, 1, 1], [], []>, transpose_lhs_hint = false} : vector<256x64xf32>, vector<64x16xf32>, vector<256x16xf32> -> vector<256x16xf32>
    %swap3A = arith.constant 0 : index
    %swap3A_11 = arith.constant 0 : index
    %swap3A_12 = vector.load %arg4[%swap3A, %swap3A_11] : memref<256x16xf32, #tpu.memory_space<vmem>>, vector<256x16xf32>
    tpu.vector_store %arg4[%swap3A, %swap3A_11], %dot_general3A_10 {strides = array<i32>} : memref<256x16xf32, #tpu.memory_space<vmem>>, vector<256x16xf32>,
    return
  }
  func.func @transform_0(%arg0: i32) -> (i32, i32) {
    %c0_i32 = arith.constant 0 : i32
    %c0_i32_0 = arith.constant 0 : i32
    return %arg0, %c0_i32 : i32, i32
  }
  func.func @transform_1(%arg0: i32) -> (i32, i32) {
    %c0_i32 = arith.constant 0 : i32
    %c0_i32_0 = arith.constant 0 : i32
    %c0_i32_1 = arith.constant 0 : i32
    return %c0_i32, %c0_i32_0 : i32, i32
  }
  func.func @transform_2(%arg0: i32) -> (i32, i32) {
    %c0_i32 = arith.constant 0 : i32
    %c0_i32_0 = arith.constant 0 : i32
    %c0_i32_1 = arith.constant 0 : i32
    return %c0_i32, %c0_i32_0 : i32, i32
  }
  func.func @transform_3(%arg0: i32) -> (i32, i32) {
    %c0_i32 = arith.constant 0 : i32
    %c0_i32_0 = arith.constant 0 : i32
    return %arg0, %c0_i32 : i32, i32
  }
}

</mosaic_0001>

<sc_bundles>
// kernel: kernel.4.cloned.1.call-start
scs
__scs_entry_jumppad:
0x0: {  	(pc) =	sbr.rel $0x88, $3  }
0x1: {  	(tag) =	ssettag $0x0;
	lr =	simm.s32 $0x1  }
0x2: {  	[smem:$0x3F9D] =	sst lr;
	_ =	strace $0xD0000000  }
0x3: {  	_ = 	snop  }
0x4: {  	_ = 	snop  }
0x5: {  	_ = 	snop  }
0x6: {  	_ = 	snop  }
0x7: {  	_ = 	snop  }
__scs_overlays_trampoline_lowered:
0x8: {  	[smem:$0x3FAC] =	sst s0  }
0x9: {  	[smem:$0x3FAD] =	sst s1  }
0xa: {  	[smem:$0x3FAE] =	sst s2  }
0xb: {  	[smem:$0x3FAF] =	sst s3  }
0xc: {  	[smem:$0x3FB0] =	sst s4  }
0xd: {  	[smem:$0x3FB1] =	sst s5  }
0xe: {  	[smem:$0x3FB2] =	sst s6  }
0xf: {  	[smem:$0x3FB3] =	sst s7  }
0x10: {  	[smem:$0x3FB4] =	sst s8  }
0x11: {  	[smem:$0x3FB5] =	sst s9;
	s0 =	simm.s32 @!p0 $0x0  }
0x12: {  	s1 =	sld [smem:$0x3F9B];
	s0 =	simm.s32 @p0 $0x1  }
0x13: {  	[smem:$0x3FB6] =	sst s0;
	s0 =	simm.s32 @!p1 $0x0  }
0x14: {  	s2 =	sld [smem:$0x3F9A];
	s0 =	simm.s32 @p1 $0x1  }
0x15: {  	[smem:$0x3FB7] =	sst s0;
	s0 =	simm.s32 @!p2 $0x0  }
0x16: {  	s3 =	sld [smem:$0x3FDB];
	s0 =	simm.s32 @p2 $0x1  }
0x17: {  	s4 =	simm.s32 $0x1BF5;
	[smem:$0x3FB9] =	sst s0  }
0x18: {  	s0 =	sld [smem:$0x3F9C];
	_ =	swait.ge [sflag:s4], $0x0  }
0x19: {  	s7 =	sld [smem:$0x3F9D]  }
0x1a: {  	s8 =	sadd.s32 $0xFFFFE003, lr  }
0x1b: {  	s9 =	sadd.s32 $0xFFFFFEF7, lr;
	s5 =	simm.s32 $0xFFFFFFFF;
	p2 =	slt.u32 s8, $0xFFFFF086  }
0x1c: {  	p1 =	slt.u32 s9, $0xF7A;
	s5 =	simm.s32 @!p2 $0x0  }
0x1d: {  	s5 =	simm.s32 @p1 $0x1;
	p0 =	seq.s32 s7, s2  }
0x1e: {  	s7 =	smul.u32 @!p0 $0xF7A, s2;
	p2 =	seq.s32 @!p0 s5, $0x0  }
0x1f: {  	s9 =	smul.u32 $0xF7A, s1;
	s8 =	simm.s32 @!p0 $0x1BF5;
	p2 =	por !p2, p0  }
0x20: {  	[sflag:s8] =	ssyncset.s32 @!p0 $0xFFFFF086;
	s6 =	sadd.s32 @!p0 s3, s7;
	s7 =	simm.s32 @!p0 $0x108  }
0x21: {  	s3 =	sadd.s32 s3, s9;
	s6 =	sadd.s32 @!p0 $0x88, s6;
	s7 =	simm.s32 @p2 $0x1082  }
0x22: {  	[simem:s7], [sflag:s8] =	dma.local @!p0 [hbm:s6], $0xF7A  }
0x23: {  	s9 =	sor.u32 $0xD0000000, s2;
	s6 =	simm.s32 $0x108;
	_ =	swait.ge @!p0 [sflag:s8], $0x0  }
0x24: {  	s3 =	sadd.s32 $0x88, s3;
	s6 =	simm.s32 @!p1 $0x1082;
	[sflag:s4] =	ssyncset.s32 $0xFFFFF086  }
0x25: {  	[simem:s6], [sflag:s4] =	dma.local [hbm:s3], $0xF7A  }
0x26: {  	[smem:$0x3F9D] =	sst s1;
	(tag) =	ssettag s2;
	_ =	strace s9  }
0x27: {  	s1 =	sld [smem:$0x3FAD]  }
0x28: {  	s2 =	sld [smem:$0x3FAE]  }
0x29: {  	s4 =	sld [smem:$0x3FB0]  }
0x2a: {  	p0 =	seq.s32 s5, $0x0;
	s5 =	sld [smem:$0x3FB1]  }
0x2b: {  	s6 =	sld [smem:$0x3FB2]  }
0x2c: {  	s7 =	sld [smem:$0x3FB3]  }
0x2d: {  	s3 =	simm.s32 $0x108;
	s8 =	sld [smem:$0x3FB4]  }
0x2e: {  	s3 =	simm.s32 @!p0 $0x1082;
	s9 =	sld [smem:$0x3FB5]  }
0x2f: {  	lr =	sadd.s32 s0, s3;
	s0 =	sld [smem:$0x3FAC]  }
0x30: {  	s3 =	sld [smem:$0x3FAF]  }
0x31: {  	[smem:$0x3FB8] =	sst s10  }
0x32: {  	s10 =	sld [smem:$0x3FB6];
	_ =	sdelay $0x3  }
0x33: {  	p0 =	seq.s32 s10, $0x1;
	s10 =	sld [smem:$0x3FB8];
	_ =	sdelay $0x3  }
0x34: {  	[smem:$0x3FB8] =	sst s10  }
0x35: {  	s10 =	sld [smem:$0x3FB7];
	_ =	sdelay $0x3  }
0x36: {  	p1 =	seq.s32 s10, $0x1;
	s10 =	sld [smem:$0x3FB8];
	_ =	sdelay $0x3  }
0x37: {  	[smem:$0x3FB8] =	sst s10  }
0x38: {  	s10 =	sld [smem:$0x3FB9]  }
0x39: {  	_ = 	snop;
	(pc) =	sbr.ind lr, $3  }
0x3a: {  	_ = 	snop  }
0x3b: {  	_ = 	snop  }
0x3c: {  	p2 =	seq.s32 s10, $0x1;
	s10 =	sld [smem:$0x3FB8]  }
0x3d: {  	_ =	shalt  }
0x3e: {  	_ =	shalt  }
0x3f: {  	_ =	shalt  }
0x40: {  	_ =	shalt  }
0x41: {  	_ =	shalt  }
0x42: {  	_ =	shalt  }
0x43: {  	_ =	shalt  }
0x44: {  	_ =	shalt  }
0x45: {  	_ =	shalt  }
0x46: {  	_ =	shalt  }
0x47: {  	_ =	shalt  }
0x48: {  	_ =	shalt  }
0x49: {  	_ =	shalt  }
0x4a: {  	_ =	shalt  }
0x4b: {  	_ =	shalt  }
0x4c: {  	_ =	shalt  }
0x4d: {  	_ =	shalt  }
0x4e: {  	_ =	shalt  }
0x4f: {  	_ =	shalt  }
0x50: {  	_ =	shalt  }
0x51: {  	_ =	shalt  }
0x52: {  	_ =	shalt  }
0x53: {  	_ =	shalt  }
0x54: {  	_ =	shalt  }
0x55: {  	_ =	shalt  }
0x56: {  	_ =	shalt  }
0x57: {  	_ =	shalt  }
0x58: {  	_ =	shalt  }
0x59: {  	_ =	shalt  }
0x5a: {  	_ =	shalt  }
0x5b: {  	_ =	shalt  }
0x5c: {  	_ =	shalt  }
0x5d: {  	_ =	shalt  }
0x5e: {  	_ =	shalt  }
0x5f: {  	_ =	shalt  }
0x60: {  	_ =	shalt  }
0x61: {  	_ =	shalt  }
0x62: {  	_ =	shalt  }
0x63: {  	_ =	shalt  }
0x64: {  	_ =	shalt  }
0x65: {  	_ =	shalt  }
0x66: {  	_ =	shalt  }
0x67: {  	_ =	shalt  }
0x68: {  	_ =	shalt  }
0x69: {  	_ =	shalt  }
0x6a: {  	_ =	shalt  }
0x6b: {  	_ =	shalt  }
0x6c: {  	_ =	shalt  }
0x6d: {  	_ =	shalt  }
0x6e: {  	_ =	shalt  }
0x6f: {  	_ =	shalt  }
0x70: {  	_ =	shalt  }
0x71: {  	_ =	shalt  }
0x72: {  	_ =	shalt  }
0x73: {  	_ =	shalt  }
0x74: {  	_ =	shalt  }
0x75: {  	_ =	shalt  }
0x76: {  	_ =	shalt  }
0x77: {  	_ =	shalt  }
0x78: {  	_ =	shalt  }
0x79: {  	_ =	shalt  }
0x7a: {  	_ =	shalt  }
0x7b: {  	_ =	shalt  }
0x7c: {  	_ =	shalt  }
0x7d: {  	_ =	shalt  }
0x7e: {  	_ =	shalt  }
0x7f: {  	_ =	shalt  }
0x80: {  	_ =	shalt  }
0x81: {  	_ =	shalt  }
0x82: {  	_ =	shalt  }
0x83: {  	_ =	shalt  }
0x84: {  	_ =	shalt  }
0x85: {  	_ =	shalt  }
0x86: {  	_ =	shalt  }
0x87: {  	_ =	shalt  }
.Lfunc_end0:
.L_simem_size_0:
called_computation_lowered:
.L_overlay_start_0:
0x88: {  	s2 =	sld [smem:$0x3FD9]  }
0x89: {  	s3 =	sld [smem:$0x3FFE];
	_ =	sdelay $0x1  }
0x8a: {  	s1 =	srdreg.scid  }
0x8b: {  	s0 =	sand.u32 $0x1, s1  }
0x8c: {  	s16 =	sshll.u32 s0, $0xA;
	s2 =	sadd.s32 s3, s2  }
0x8d: {  	s2 =	sadd.s32 s2, s16  }
0x8e: {  	[smem:$0x3FC4] =	sst s2  }
0x8f: {  	_ = 	snop  }
0x90: {  	(tm) =	ssettm $0x1  }
0x91: {  	s17 =	sld [smem:$0x3FFB];
	_ =	sdelay $0x3  }
0x92: {  	_ =	strace s17  }
0x93: {  	s2 =	sld [smem:$0x3FFC];
	_ =	sdelay $0x3  }
0x94: {  	_ =	strace s2  }
0x95: {  	s2 =	sld [smem:$0x3FFD];
	_ =	sdelay $0x3  }
0x96: {  	_ =	strace s2  }
0x97: {  	_ =	strace $0x8FFFFFFF  }
0x98: {  	s18 =	sld [smem:$0x3FDB];
	_ =	sdelay $0x1  }
0x99: {  	s19 =	simm.s32 $_scs_section_size  }
0x9a: {  	s4 =	simm.s32 $_size__tile_overlayer_lowered;
	s5 =	simm.s32 $_tile_overlayer_lowered  }
0x9b: {  	s22 =	simm.s32 $0x1BFF;
	s21 =	sshll.u32 s5, $0x1;
	s2 =	sadd.s32 s19, s18  }
0x9c: {  	s6 =	simm.s32 $0x0;
	s20 =	sshll.u32 s4, $0x1;
	s4 =	sadd.s32 s21, s2  }
0x9d: {  	[timem:s6], [sflag:s22] =	dma.local [hbm:s4], s20  }
0x9e: {  	_ =	swait.ge [sflag:s22], s20  }
0x9f: {  	s3 =	ssub.s32 $0x0, s20;
	[sflag:s22] =	ssyncset.done $0x0  }
0xa0: {  	[sflag:s22] =	ssyncadd.s32 s3;
	_ =	sdelay $0x1  }
0xa1: {  	s23 =	simm.s32 $0x1B8B  }
0xa2: {  	_ =	swait.ge [sflag:s23], $0x1  }
0xa3: {  	[sflag:s23] =	ssyncset.done $0x0  }
0xa4: {  	s25 =	simm.s32 $0x1B8E;
	s24 =	sld [smem:$0x3FFE];
	[sflag:s23] =	ssyncadd.s32 $0xFFFFFFFF  }
0xa5: {  	s26 =	simm.s32 $execute0_lowered;
	[smem:$0x3FD2] =	sst s25  }
0xa6: {  	s4 =	sshll.u32 s26, $0x1;
	_ =	strace $0x80000046;
	[dreg:$0x1] =	wrdreg $0xFFFFFFFF  }
0xa7: {  	s28 =	simm.s32 $_size_execute0_lowered;
	s2 =	sadd.s32 s2, s4;
	[dreg:$0x0] =	wrdreg $0x0  }
0xa8: {  	s4 =	sshll.u32 s28, $0x1;
	[dreg:$0x2] =	wrdreg s2  }
0xa9: {  	[dreg:$0x3] =	wrdreg s4  }
0xaa: {  	[dreg:$0x4] =	wrdreg $0xC0  }
0xab: {  	_ =	task [dreg:s6], $0x5FFFF  }
0xac: {  	[dreg:$0x1] =	wrdreg $0xFFFFFFFF  }
0xad: {  	[dreg:$0x0] =	wrdreg $0x60  }
0xae: {  	[dreg:$0x2] =	wrdreg s24  }
0xaf: {  	[dreg:$0x3] =	wrdreg $0x28000  }
0xb0: {  	[dreg:$0x4] =	wrdreg $0x0  }
0xb1: {  	[dreg:$0x5] =	wrdreg $0x9  }
0xb2: {  	_ =	task.clear_ibuf [dreg:s6], $0x6FFFF;
	_ =	strace $0x90000046  }
0xb3: {  	s29 =	simm.s32 $0x9;
	_ =	strace $0x80000048  }
0xb4: {  	_ =	swait.ge [sflag:s29], $0x1  }
0xb5: {  	[sflag:s29] =	ssyncadd.s32 $0xFFFFFFFF  }
0xb6: {  	_ =	strace $0x90000048  }
0xb7: {  	_ =	sfence  }
0xb8: {  	s30 =	sld [smem:$0x0];
	_ =	sdelay $0x2  }
0xb9: {  	s31 =	sshll.u32 s1, $0xD;
	s1 =	sshrl.u32 s1, $0x2  }
0xba: {  	s3 =	sand.u32 $0x4000, s31;
	s1 =	sadd.s32 s1, s30  }
0xbb: {  	s0 =	sor.u32 s3, s0;
	s1 =	sshll.u32 s1, $0x11  }
0xbc: {  	s0 =	sor.u32 s1, s0  }
0xbd: {  	s0 =	sadd.s32 $0x8F2B, s0  }
0xbe: {  	[sflag:s0] =	ssyncadd.remote.s32 $0x1  }
0xbf: {  	_ =	sfence.sel $0xFFFF  }
0xc0: {  	[dreg:$0x0] =	wrdreg $0xFFFFFFFF;
	(pc) =	sbr.abs _section_cstart, $3  }
0xc1: {  	[dreg:$0x1] =	wrdreg $0xFFFFFFFF  }
0xc2: {  	_ =	task.clear_ibuf [dreg:s6], $0x2FFFF;
	_ =	strace $0x9FFFFFFF  }
0xc3: {  	(tm) =	ssettm $0x7FFFFFFF  }
tec
execute0_lowered:
.L_overlay_start_1:
0x0: {  	(tag) =	ssettag $0x1  }
0x1: {  	s0 =	rddreg [dreg:$0x0]  }
0x2: {  	s2 =	rddreg [dreg:$0x1];
	s9 =	stileid.u32  }
0x3: {  	s1 =	srdreg.scid;
	s4 =	smul.u32 $0xA00, s9  }
0x4: {  	s3 =	rddreg [dreg:$0x2];
	s6 =	smul.u32 $0x140, s9  }
0x5: {  	s10 =	simm.s32 $0x0;
	s29 =	simm.s32 $0x13000;
	s8 =	smul.u32 $0x2800, s9  }
0x6: {  	s30 =	simm.s32 $0x80;
	s31 =	simm.s32 $0xF000;
	s18 =	smul.u32 $0xA000, s9  }
0x7: {  	s16 =	simm.s32 $0x13400;
	s1 =	sand.u32 $0x1, s1;
	s9 =	smul.u32 $0x280, s9  }
0x8: {  	s14 =	simm.s32 $0x11000;
	[smem:$0x7FF] =	sst s10;
	s5 =	smul.u32 $0x1400, s1  }
0x9: {  	_ =	strace $0x80000047;
	s1 =	ssub.s32 $0x2, s1;
	s4 =	sadd.s32 s4, s0  }
0xa: {  	s7 =	sshrl.u32 s1, $0x1;
	[dreg:$0x4] =	wrdreg s9;
	s20 =	sshrl.u32 s8, $0x3  }
0xb: {  	s21 =	sshrl.u32 s18, $0x2;
	s26 =	sadd.s32 s8, s2;
	s28 =	sadd.s32 s8, s3  }
0xc: {  	s8 =	simm.s32 $0xA000;
	s5 =	sadd.s32 s6, s5;
	[dreg:$0x8] =	wrdreg s26  }
0xd: {  	s1 =	ssub.s32 s1, s7;
	s19 =	sadd.s32 $0x5000, s4;
	[dreg:$0x9] =	wrdreg s28  }
0xe: {  	s4 =	sadd.s32 $0xF000, s4;
	s9 =	sadd.s32 s21, s2;
	[dreg:$0x5] =	wrdreg s19  }
0xf: {  	s7 =	simm.s32 $0x0;
	s6 =	sshll.u32 s5, $0x1;
	[dreg:$0x6] =	wrdreg s4  }
0x10: {  	s22 =	sshll.u32 s5, $0x4;
	s24 =	smax.u32 s1, $0x1;
	s25 =	sadd.s32 $0x800, s9  }
0x11: {  	s17 =	sadd.s32 $0xC00, s9;
	s18 =	sadd.s32 $0x1000, s9;
	s19 =	sadd.s32 $0x1400, s9  }
0x12: {  	s21 =	sadd.s32 $0x1C00, s9;
	s4 =	simm.s32 $0x11800;
	s5 =	simm.s32 $0x12000  }
0x13: {  	s6 =	sadd.s32 s6, s0;
	s0 =	sadd.s32 s0, s20;
	[dreg:$0xc] =	wrdreg s24  }
.Ltmp0:
0x14: {  	s24 =	sadd.s32 $0x400, s9;
	[dreg:$0xe] =	wrdreg s25;
	(pc) =	sbr.rel .LBB2_1-.Ltmp0, $4  }
0x15: {  	s20 =	sadd.s32 $0x1800, s9;
	s25 =	simm.s32 $0x4;
	[dreg:$0x7] =	wrdreg s0  }
0x16: {  	s0 =	sadd.s32 s22, s3;
	s23 =	sadd.s32 $0x19000, s6;
	[dreg:$0xd] =	wrdreg s24  }
0x17: {  	s22 =	sadd.s32 $0x2000, s9;
	s6 =	simm.s32 $0x12800;
	[dreg:$0xa] =	wrdreg s0  }
0x18: {  	v0 =	vimm.f32 $0.0e+00;
	v1 =	vimm.f32 $1.000000000e+00;
	[dreg:$0xb] =	wrdreg s23;
	s23 =	sadd.s32 $0x2400, s9;
	s0 =	simm.s32 $0x3  }
.LBB2_22:
0x19: {  	s1 =	rddreg [dreg:$0xa];
	s7 =	simm.s32 $0x13400  }
0x1a: {  	[tilespmem:s7], [sflag:$0x4] =	stream.linear.gather [spmem:s1], $0x1400, $0x38;
	[tilespmem:$0x1D400] =	vst v63  }
0x1b: {  	_ =	swait.ge [sflag:s25], $0x1400  }
0x1c: {  	[sflag:s25] =	ssyncset.done $0x0  }
0x1d: {  	s10 =	simm.s32 $0x0;
	s13 =	rddreg [dreg:$0xb];
	[sflag:s25] =	ssyncadd.s32 $0xFFFFEC00  }
0x1e: {  	[hbm4b:s13+s10] =	stream.linear.scatter [tilespmem:s7], [sflag:$0x4], $0x1400, $0x38;
	[tilespmem:$0x1D400] =	vst v63  }
0x1f: {  	_ =	swait.ge [sflag:s25], $0x1400  }
0x20: {  	s15 =	rddreg [dreg:$0xf]  }
0x21: {  	s28 =	rddreg [dreg:$0xc];
	s7 =	sadd.s32 $0x1, s15  }
0x22: {  	p0 =	sne.s32 s7, s28  }
.Ltmp1:
0x23: {  	_ = 	snop;
	(pc) =	sbr.rel @!p0 .LBB2_23-.Ltmp1, $3  }
0x24: {  	_ =	sdelay $0x1  }
0x25: {  	[sflag:s25] =	ssyncset.done $0x0  }
0x26: {  	s16 =	simm.s32 $0x13400;
	s8 =	simm.s32 $0xA000;
	[sflag:s25] =	ssyncadd.s32 $0xFFFFEC00  }
.LBB2_1:
0x27: {  	[dreg:$0xf] =	wrdreg s7  }
0x28: {  	s1 =	rddreg [dreg:$0x5];
	s12 =	simm.s32 $0x5000  }
0x29: {  	[tilespmem:s12], [sflag:$0x4] =	stream.linear.gather [hbm4b:s1+s10], $0x5000, $0x38;
	[tilespmem:$0x1D400] =	vst v63  }
0x2a: {  	_ =	swait.ge [sflag:s25], $0x5000  }
0x2b: {  	[sflag:s25] =	ssyncset.done $0x0  }
0x2c: {  	s13 =	rddreg [dreg:$0x6];
	[sflag:s25] =	ssyncadd.s32 $0xFFFFB000  }
0x2d: {  	[tilespmem:s8], [sflag:$0x4] =	stream.linear.gather [hbm4b:s13+s10], $0x5000, $0x38;
	[tilespmem:$0x1D400] =	vst v63  }
0x2e: {  	_ =	swait.ge [sflag:s25], $0x5000  }
0x2f: {  	[sflag:s25] =	ssyncset.done $0x0  }
0x30: {  	s28 =	simm.s32 $0x15C00;
	s15 =	rddreg [dreg:$0x7];
	[sflag:s25] =	ssyncadd.s32 $0xFFFFB000  }
0x31: {  	[tilespmem:s28], [sflag:$0x4] =	stream.linear.gather [hbm4b:s15+s10], $0x2800, $0x38;
	[tilespmem:$0x1D400] =	vst v63  }
0x32: {  	_ =	swait.ge [sflag:s25], $0x2800  }
0x33: {  	[sflag:s25] =	ssyncset.done $0x0  }
0x34: {  	s1 =	simm.s32 $0x0;
	[sflag:s25] =	ssyncadd.s32 $0xFFFFD800  }
.LBB2_2:
0x35: {  	p0 =	sne.s32 s1, $0xFC0  }
.Ltmp2:
0x36: {  	_ = 	snop;
	(pc) =	sbr.rel @p0 .LBB2_2-.Ltmp2, $3  }
0x37: {  	_ =	sdelay $0x1  }
0x38: {  	s7 =	sshra.s32 s1, $0x2  }
0x39: {  	s1 =	sadd.s32 $0x40, s1;
	[tilespmem:s7+$0x13000] =	vst v0  }
0x3a: {  	s1 =	simm.s32 $0x40;
	s7 =	simm.s32 $0x0  }
.LBB2_4:
0x3b: {  	p0 =	sne.s32 s1, $0x1FC0;
	[tilespmem:s7+$0xF000] =	vst v1;
	s7 =	smov.u32 s1;
	s1 =	sadd.s32 $0x40, s1  }
.Ltmp3:
0x3c: {  	(pc) =	sbr.rel @p0 .LBB2_4-.Ltmp3, $2  }
0x3d: {  	_ =	sdelay $0x2  }
0x3e: {  	s7 =	sshra.s32 s7, $0x2  }
0x3f: {  	[tilespmem:s7+$0xF000] =	vst v1  }
0x40: {  	[spmem:s9] =	stream.linear.scatter [tilespmem:s29], [sflag:$0x4], $0x400, $0x38;
	[tilespmem:$0x1D400] =	vst v63  }
0x41: {  	_ =	swait.ge [sflag:s25], $0x400  }
0x42: {  	[sflag:s25] =	ssyncset.done $0x0  }
0x43: {  	[sflag:s25] =	ssyncadd.s32 $0xFFFFFC00  }
0x44: {  	[spmem:s24] =	stream.linear.scatter [tilespmem:s29], [sflag:$0x4], $0x400, $0x38;
	[tilespmem:$0x1D400] =	vst v63  }
0x45: {  	_ =	swait.ge [sflag:s25], $0x400  }
0x46: {  	[sflag:s25] =	ssyncset.done $0x0  }
0x47: {  	s1 =	rddreg [dreg:$0xe];
	[sflag:s25] =	ssyncadd.s32 $0xFFFFFC00  }
0x48: {  	[spmem:s1] =	stream.linear.scatter [tilespmem:s29], [sflag:$0x4], $0x400, $0x38;
	[tilespmem:$0x1D400] =	vst v63  }
0x49: {  	_ =	swait.ge [sflag:s25], $0x400  }
0x4a: {  	[sflag:s25] =	ssyncset.done $0x0  }
0x4b: {  	[sflag:s25] =	ssyncadd.s32 $0xFFFFFC00  }
0x4c: {  	[spmem:s17] =	stream.linear.scatter [tilespmem:s29], [sflag:$0x4], $0x400, $0x38;
	[tilespmem:$0x1D400] =	vst v63  }
0x4d: {  	_ =	swait.ge [sflag:s25], $0x400  }
0x4e: {  	[sflag:s25] =	ssyncset.done $0x0  }
0x4f: {  	[sflag:s25] =	ssyncadd.s32 $0xFFFFFC00  }
0x50: {  	[spmem:s18] =	stream.linear.scatter [tilespmem:s29], [sflag:$0x4], $0x400, $0x38;
	[tilespmem:$0x1D400] =	vst v63  }
0x51: {  	_ =	swait.ge [sflag:s25], $0x400  }
0x52: {  	[sflag:s25] =	ssyncset.done $0x0  }
0x53: {  	[sflag:s25] =	ssyncadd.s32 $0xFFFFFC00  }
0x54: {  	[spmem:s19] =	stream.linear.scatter [tilespmem:s29], [sflag:$0x4], $0x400, $0x38;
	[tilespmem:$0x1D400] =	vst v63  }
0x55: {  	_ =	swait.ge [sflag:s25], $0x400  }
0x56: {  	[sflag:s25] =	ssyncset.done $0x0  }
0x57: {  	[sflag:s25] =	ssyncadd.s32 $0xFFFFFC00  }
0x58: {  	[spmem:s20] =	stream.linear.scatter [tilespmem:s29], [sflag:$0x4], $0x400, $0x38;
	[tilespmem:$0x1D400] =	vst v63  }
0x59: {  	_ =	swait.ge [sflag:s25], $0x400  }
0x5a: {  	[sflag:s25] =	ssyncset.done $0x0  }
0x5b: {  	[sflag:s25] =	ssyncadd.s32 $0xFFFFFC00  }
0x5c: {  	[spmem:s21] =	stream.linear.scatter [tilespmem:s29], [sflag:$0x4], $0x400, $0x38;
	[tilespmem:$0x1D400] =	vst v63  }
0x5d: {  	_ =	swait.ge [sflag:s25], $0x400  }
0x5e: {  	[sflag:s25] =	ssyncset.done $0x0  }
0x5f: {  	[sflag:s25] =	ssyncadd.s32 $0xFFFFFC00  }
0x60: {  	[spmem:s22] =	stream.linear.scatter [tilespmem:s29], [sflag:$0x4], $0x400, $0x38;
	[tilespmem:$0x1D400] =	vst v63  }
0x61: {  	_ =	swait.ge [sflag:s25], $0x400  }
0x62: {  	[sflag:s25] =	ssyncset.done $0x0  }
0x63: {  	[sflag:s25] =	ssyncadd.s32 $0xFFFFFC00  }
0x64: {  	[spmem:s23] =	stream.linear.scatter [tilespmem:s29], [sflag:$0x4], $0x400, $0x38;
	[tilespmem:$0x1D400] =	vst v63  }
0x65: {  	_ =	swait.ge [sflag:s25], $0x400  }
0x66: {  	[sflag:s25] =	ssyncset.done $0x0  }
0x67: {  	[sflag:s25] =	ssyncadd.s32 $0xFFFFFC00  }
0x68: {  	[bflag:$0x0] =	sbarrier.arrive $0xFFFF  }
0x69: {  	[spmem:s2] =	stream.indirect.scatter.add.f32 [tilespmem:s31], [sflag:$0x3], $0x10, s8, s30, $0xb8;
	[tilespmem:$0x1D400] =	vst v63  }
0x6a: {  	s8 =	simm.s32 $0xA080  }
0x6b: {  	[spmem:s2] =	stream.indirect.scatter.add.f32 [tilespmem:s31], [sflag:$0x3], $0x10, s8, s30, $0xb8;
	[tilespmem:$0x1D400] =	vst v63  }
0x6c: {  	s10 =	simm.s32 $0xA100  }
0x6d: {  	[spmem:s2] =	stream.indirect.scatter.add.f32 [tilespmem:s31], [sflag:$0x3], $0x10, s10, s30, $0xb8;
	[tilespmem:$0x1D400] =	vst v63  }
0x6e: {  	s11 =	simm.s32 $0xA180  }
0x6f: {  	[spmem:s2] =	stream.indirect.scatter.add.f32 [tilespmem:s31], [sflag:$0x3], $0x10, s11, s30, $0xb8;
	[tilespmem:$0x1D400] =	vst v63  }
0x70: {  	s12 =	simm.s32 $0xA200  }
0x71: {  	[spmem:s2] =	stream.indirect.scatter.add.f32 [tilespmem:s31], [sflag:$0x3], $0x10, s12, s30, $0xb8;
	[tilespmem:$0x1D400] =	vst v63  }
0x72: {  	s13 =	simm.s32 $0xA280  }
0x73: {  	[spmem:s2] =	stream.indirect.scatter.add.f32 [tilespmem:s31], [sflag:$0x3], $0x10, s13, s30, $0xb8;
	[tilespmem:$0x1D400] =	vst v63  }
0x74: {  	s15 =	simm.s32 $0xA300  }
0x75: {  	[spmem:s2] =	stream.indirect.scatter.add.f32 [tilespmem:s31], [sflag:$0x3], $0x10, s15, s30, $0xb8;
	[tilespmem:$0x1D400] =	vst v63  }
0x76: {  	s28 =	simm.s32 $0xA380  }
0x77: {  	[spmem:s2] =	stream.indirect.scatter.add.f32 [tilespmem:s31], [sflag:$0x3], $0x10, s28, s30, $0xb8;
	[tilespmem:$0x1D400] =	vst v63  }
0x78: {  	_ =	swait.ge [sflag:s0], $0x800  }
0x79: {  	[sflag:s0] =	ssyncset.done $0x0  }
0x7a: {  	[sflag:s0] =	ssyncadd.s32 $0xFFFFF800  }
0x7b: {  	_ =	swait.ge [sflag:s0], $0x800  }
0x7c: {  	[sflag:s0] =	ssyncset.done $0x0  }
0x7d: {  	[sflag:s0] =	ssyncadd.s32 $0xFFFFF800  }
0x7e: {  	_ =	swait.ge [sflag:s0], $0x800  }
0x7f: {  	[sflag:s0] =	ssyncset.done $0x0  }
0x80: {  	[sflag:s0] =	ssyncadd.s32 $0xFFFFF800  }
0x81: {  	_ =	swait.ge [sflag:s0], $0x800  }
0x82: {  	s7 =	simm.s32 $0xFFFED800;
	s1 =	simm.s32 $0xFFFFB400;
	[sflag:s0] =	ssyncset.done $0x0  }
.LBB2_6:
0x83: {  	s8 =	sadd.s32 $0xF000, s1  }
0x84: {  	[sflag:s0] =	ssyncadd.s32 $0xFFFFF800;
	s10 =	smov.u32 s7;
	s12 =	sadd.s32 $0x800, s7  }
0x85: {  	[spmem:s2] =	stream.indirect.scatter.add.f32 [tilespmem:s31], [sflag:$0x3], $0x10, s8, s30, $0xb8;
	[tilespmem:$0x1D400] =	vst v63  }
0x86: {  	p0 =	sne.s32 s7, $0xFFFFF800;
	s7 =	sadd.s32 $0xF080, s1  }
0x87: {  	[spmem:s2] =	stream.indirect.scatter.add.f32 [tilespmem:s31], [sflag:$0x3], $0x10, s7, s30, $0xb8;
	[tilespmem:$0x1D400] =	vst v63  }
0x88: {  	s7 =	sadd.s32 $0xF100, s1  }
0x89: {  	[spmem:s2] =	stream.indirect.scatter.add.f32 [tilespmem:s31], [sflag:$0x3], $0x10, s7, s30, $0xb8;
	[tilespmem:$0x1D400] =	vst v63  }
0x8a: {  	s1 =	sadd.s32 $0xF180, s1  }
0x8b: {  	[spmem:s2] =	stream.indirect.scatter.add.f32 [tilespmem:s31], [sflag:$0x3], $0x10, s1, s30, $0xb8;
	[tilespmem:$0x1D400] =	vst v63  }
0x8c: {  	_ =	swait.ge [sflag:s0], $0x800  }
0x8d: {  	[sflag:s0] =	ssyncset.done $0x0  }
0x8e: {  	[sflag:s0] =	ssyncadd.s32 $0xFFFFF800  }
0x8f: {  	_ =	swait.ge [sflag:s0], $0x800  }
0x90: {  	[sflag:s0] =	ssyncset.done $0x0  }
0x91: {  	[sflag:s0] =	ssyncadd.s32 $0xFFFFF800  }
.Ltmp4:
0x92: {  	_ =	swait.ge [sflag:s0], $0x800;
	(pc) =	sbr.rel @p0 .LBB2_6-.Ltmp4, $4  }
0x93: {  	[sflag:s0] =	ssyncset.done $0x0  }
0x94: {  	[sflag:s0] =	ssyncadd.s32 $0xFFFFF800  }
0x95: {  	_ =	swait.ge [sflag:s0], $0x800  }
0x96: {  	s7 =	smov.u32 s12;
	s1 =	sshra.s32 s10, $0x2;
	[sflag:s0] =	ssyncset.done $0x0  }
0x97: {  	s7 =	sadd.s32 $0xF000, s1;
	[sflag:s0] =	ssyncadd.s32 $0xFFFFF800  }
0x98: {  	[spmem:s2] =	stream.indirect.scatter.add.f32 [tilespmem:s31], [sflag:$0x3], $0x10, s7, s30, $0xb8;
	[tilespmem:$0x1D400] =	vst v63  }
0x99: {  	s10 =	sadd.s32 $0xF080, s1  }
0x9a: {  	[spmem:s2] =	stream.indirect.scatter.add.f32 [tilespmem:s31], [sflag:$0x3], $0x10, s10, s30, $0xb8;
	[tilespmem:$0x1D400] =	vst v63  }
0x9b: {  	s11 =	sadd.s32 $0xF100, s1  }
0x9c: {  	[spmem:s2] =	stream.indirect.scatter.add.f32 [tilespmem:s31], [sflag:$0x3], $0x10, s11, s30, $0xb8;
	[tilespmem:$0x1D400] =	vst v63  }
0x9d: {  	s12 =	sadd.s32 $0xF180, s1  }
0x9e: {  	[spmem:s2] =	stream.indirect.scatter.add.f32 [tilespmem:s31], [sflag:$0x3], $0x10, s12, s30, $0xb8;
	[tilespmem:$0x1D400] =	vst v63  }
0x9f: {  	_ =	swait.ge [sflag:s0], $0x800  }
0xa0: {  	[sflag:s0] =	ssyncset.done $0x0  }
0xa1: {  	[sflag:s0] =	ssyncadd.s32 $0xFFFFF800  }
0xa2: {  	_ =	swait.ge [sflag:s0], $0x800  }
0xa3: {  	[sflag:s0] =	ssyncset.done $0x0  }
0xa4: {  	[sflag:s0] =	ssyncadd.s32 $0xFFFFF800  }
0xa5: {  	_ =	swait.ge [sflag:s0], $0x800  }
0xa6: {  	[sflag:s0] =	ssyncset.done $0x0  }
0xa7: {  	[sflag:s0] =	ssyncadd.s32 $0xFFFFF800  }
0xa8: {  	_ =	swait.ge [sflag:s0], $0x800  }
0xa9: {  	[sflag:s0] =	ssyncset.done $0x0  }
0xaa: {  	[sflag:s0] =	ssyncadd.s32 $0xFFFFF800  }
0xab: {  	_ =	swait.ge [sflag:s0], $0x800  }
0xac: {  	[sflag:s0] =	ssyncset.done $0x0  }
0xad: {  	[sflag:s0] =	ssyncadd.s32 $0xFFFFF800  }
0xae: {  	_ =	swait.ge [sflag:s0], $0x800  }
0xaf: {  	[sflag:s0] =	ssyncset.done $0x0  }
0xb0: {  	[sflag:s0] =	ssyncadd.s32 $0xFFFFF800  }
0xb1: {  	_ =	swait.ge [sflag:s0], $0x800  }
0xb2: {  	[sflag:s0] =	ssyncset.done $0x0  }
0xb3: {  	[sflag:s0] =	ssyncadd.s32 $0xFFFFF800  }
0xb4: {  	_ =	swait.ge [sflag:s0], $0x800  }
0xb5: {  	[sflag:s0] =	ssyncset.done $0x0  }
0xb6: {  	[sflag:s0] =	ssyncadd.s32 $0xFFFFF800  }
0xb7: {  	[bflag:$0x0] =	sbarrier.arrive $0xFFFF  }
0xb8: {  	[tilespmem:s16], [sflag:$0x4] =	stream.linear.gather [spmem:s26], $0x2800, $0x38;
	[tilespmem:$0x1D400] =	vst v63  }
0xb9: {  	_ =	swait.ge [sflag:s25], $0x2800  }
0xba: {  	[sflag:s25] =	ssyncset.done $0x0  }
0xbb: {  	[sflag:s25] =	ssyncadd.s32 $0xFFFFD800  }
0xbc: {  	[spmem:s9] =	stream.linear.scatter [tilespmem:s29], [sflag:$0x4], $0x400, $0x38;
	[tilespmem:$0x1D400] =	vst v63  }
0xbd: {  	_ =	swait.ge [sflag:s25], $0x400  }
0xbe: {  	[sflag:s25] =	ssyncset.done $0x0  }
0xbf: {  	[sflag:s25] =	ssyncadd.s32 $0xFFFFFC00  }
0xc0: {  	[spmem:s24] =	stream.linear.scatter [tilespmem:s29], [sflag:$0x4], $0x400, $0x38;
	[tilespmem:$0x1D400] =	vst v63  }
0xc1: {  	_ =	swait.ge [sflag:s25], $0x400  }
0xc2: {  	[sflag:s25] =	ssyncset.done $0x0  }
0xc3: {  	s13 =	rddreg [dreg:$0xe];
	[sflag:s25] =	ssyncadd.s32 $0xFFFFFC00  }
0xc4: {  	[spmem:s13] =	stream.linear.scatter [tilespmem:s29], [sflag:$0x4], $0x400, $0x38;
	[tilespmem:$0x1D400] =	vst v63  }
0xc5: {  	_ =	swait.ge [sflag:s25], $0x400  }
0xc6: {  	[sflag:s25] =	ssyncset.done $0x0  }
0xc7: {  	[sflag:s25] =	ssyncadd.s32 $0xFFFFFC00  }
0xc8: {  	[spmem:s17] =	stream.linear.scatter [tilespmem:s29], [sflag:$0x4], $0x400, $0x38;
	[tilespmem:$0x1D400] =	vst v63  }
0xc9: {  	_ =	swait.ge [sflag:s25], $0x400  }
0xca: {  	[sflag:s25] =	ssyncset.done $0x0  }
0xcb: {  	[sflag:s25] =	ssyncadd.s32 $0xFFFFFC00  }
0xcc: {  	[spmem:s18] =	stream.linear.scatter [tilespmem:s29], [sflag:$0x4], $0x400, $0x38;
	[tilespmem:$0x1D400] =	vst v63  }
0xcd: {  	_ =	swait.ge [sflag:s25], $0x400  }
0xce: {  	[sflag:s25] =	ssyncset.done $0x0  }
0xcf: {  	[sflag:s25] =	ssyncadd.s32 $0xFFFFFC00  }
0xd0: {  	[spmem:s19] =	stream.linear.scatter [tilespmem:s29], [sflag:$0x4], $0x400, $0x38;
	[tilespmem:$0x1D400] =	vst v63  }
0xd1: {  	_ =	swait.ge [sflag:s25], $0x400  }
0xd2: {  	[sflag:s25] =	ssyncset.done $0x0  }
0xd3: {  	[sflag:s25] =	ssyncadd.s32 $0xFFFFFC00  }
0xd4: {  	[spmem:s20] =	stream.linear.scatter [tilespmem:s29], [sflag:$0x4], $0x400, $0x38;
	[tilespmem:$0x1D400] =	vst v63  }
0xd5: {  	_ =	swait.ge [sflag:s25], $0x400  }
0xd6: {  	[sflag:s25] =	ssyncset.done $0x0  }
0xd7: {  	[sflag:s25] =	ssyncadd.s32 $0xFFFFFC00  }
0xd8: {  	[spmem:s21] =	stream.linear.scatter [tilespmem:s29], [sflag:$0x4], $0x400, $0x38;
	[tilespmem:$0x1D400] =	vst v63  }
0xd9: {  	_ =	swait.ge [sflag:s25], $0x400  }
0xda: {  	[sflag:s25] =	ssyncset.done $0x0  }
0xdb: {  	[sflag:s25] =	ssyncadd.s32 $0xFFFFFC00  }
0xdc: {  	[spmem:s22] =	stream.linear.scatter [tilespmem:s29], [sflag:$0x4], $0x400, $0x38;
	[tilespmem:$0x1D400] =	vst v63  }
0xdd: {  	_ =	swait.ge [sflag:s25], $0x400  }
0xde: {  	[sflag:s25] =	ssyncset.done $0x0  }
0xdf: {  	[sflag:s25] =	ssyncadd.s32 $0xFFFFFC00  }
0xe0: {  	[spmem:s23] =	stream.linear.scatter [tilespmem:s29], [sflag:$0x4], $0x400, $0x38;
	[tilespmem:$0x1D400] =	vst v63  }
0xe1: {  	_ =	swait.ge [sflag:s25], $0x400  }
0xe2: {  	[sflag:s25] =	ssyncset.done $0x0  }
0xe3: {  	s24 =	simm.s32 $0x0;
	[sflag:s25] =	ssyncadd.s32 $0xFFFFFC00  }
0xe4: {  	v2 =	vld [tilespmem:s24+$0x13400];
	_ =	sdelay $0x4  }
0xe5: {  	v2 =	vadd.f32 $1.000000000e+00, v2  }
0xe6: {  	s13 =	simm.s32 $0x10  }
0xe7: {  	v3 =	vld [tilespmem:s13+$0x13400];
	v4 =	vshra.s32 v2, $0x1;
	v2 =	vmul.f32 $5.000000000e-01, v2  }
0xe8: {  	v4 =	vsub.s32 $0x5F3759DF, v4  }
0xe9: {  	v5 =	vmul.f32 v4, v2;
	_ =	sdelay $0x1  }
0xea: {  	v5 =	vmul.f32 v4, v5  }
0xeb: {  	s26 =	simm.s32 $0x20;
	v3 =	vadd.f32 $1.000000000e+00, v3  }
0xec: {  	v6 =	vld [tilespmem:s26+$0x13400];
	v5 =	vsub.f32 $1.500000000e+00, v5  }
0xed: {  	v7 =	vshra.s32 v3, $0x1;
	v8 =	vmul.f32 $5.000000000e-01, v3  }
0xee: {  	v3 =	vsub.s32 $0x5F3759DF, v7;
	v5 =	vmul.f32 v4, v5  }
0xef: {  	v4 =	vmul.f32 v3, v8  }
0xf0: {  	s8 =	simm.s32 $0x30;
	v7 =	vmul.f32 v5, v2  }
0xf1: {  	v9 =	vld [tilespmem:s8+$0x13400];
	v6 =	vadd.f32 $1.000000000e+00, v6;
	v4 =	vmul.f32 v3, v4  }
0xf2: {  	v7 =	vmul.f32 v7, v5  }
0xf3: {  	v11 =	vshra.s32 v6, $0x1;
	v10 =	vsub.f32 $1.500000000e+00, v4;
	v4 =	vmul.f32 $5.000000000e-01, v6  }
0xf4: {  	v6 =	vsub.f32 $1.500000000e+00, v7;
	v7 =	vsub.s32 $0x5F3759DF, v11  }
0xf5: {  	v10 =	vmul.f32 v3, v10;
	v3 =	vmul.f32 v7, v4  }
0xf6: {  	v9 =	vadd.f32 $1.000000000e+00, v9;
	v5 =	vmul.f32 v6, v5  }
0xf7: {  	s7 =	simm.s32 $0x40;
	v6 =	vmul.f32 v10, v8;
	v11 =	vmul.f32 v7, v3  }
0xf8: {  	v12 =	vld [tilespmem:s7+$0x13400];
	v13 =	vshra.s32 v9, $0x1;
	v3 =	vmul.f32 $5.000000000e-01, v9;
	v2 =	vmul.f32 v5, v2  }
0xf9: {  	v9 =	vsub.s32 $0x5F3759DF, v13;
	v6 =	vmul.f32 v6, v10  }
0xfa: {  	v11 =	vsub.f32 $1.500000000e+00, v11;
	v13 =	vmul.f32 v9, v3;
	v2 =	vmul.f32 v2, v5  }
0xfb: {  	v6 =	vsub.f32 $1.500000000e+00, v6  }
0xfc: {  	v14 =	vmul.f32 v7, v11;
	v11 =	vmul.f32 v9, v13;
	v2 =	vsub.f32 $1.500000000e+00, v2  }
0xfd: {  	v12 =	vadd.f32 $1.000000000e+00, v12;
	v7 =	vmul.f32 v6, v10  }
0xfe: {  	s12 =	simm.s32 $0x50;
	v16 =	vld [tilespmem:s24+$0x15C00];
	v6 =	vmul.f32 v14, v4;
	v10 =	vsub.f32 $1.500000000e+00, v11;
	v11 =	vmul.f32 v2, v5  }
0xff: {  	s15 =	rddreg [dreg:$0x4];
	v15 =	vld [tilespmem:s12+$0x13400];
	v5 =	vshra.s32 v12, $0x1;
	v2 =	vmul.f32 $5.000000000e-01, v12;
	v12 =	vmul.f32 v7, v8  }
0x100: {  	p0 =	slt.u32 s15, $0x2710;
	v13 =	vmul.f32 v6, v14;
	v6 =	vsub.s32 $0x5F3759DF, v5;
	v5 =	vmul.f32 v9, v10  }
0x101: {  	v8 =	vpsel !p0, $0x0, v11;
	v9 =	vmul.f32 v6, v2;
	v10 =	vmul.f32 v12, v7  }
0x102: {  	v17 =	vsub.f32 $1.500000000e+00, v13;
	v11 =	vmul.f32 v5, v3;
	v18 =	vmul.f32 $1.000000010e-01, v8  }
0x103: {  	v19 =	vmul.f32 v8, v16;
	v9 =	vmul.f32 v6, v9;
	v13 =	vsub.f32 $1.500000000e+00, v10  }
0x104: {  	s28 =	sadd.s32 $0x1, s15;
	v10 =	vadd.f32 $1.000000000e+00, v15;
	v15 =	vmul.f32 $8.999999760e-01, v8;
	v12 =	vmul.f32 v11, v5  }
0x105: {  	s10 =	simm.s32 $0x180;
	s1 =	smov.u32 s28;
	[tilespmem:s24+$0x15C00] =	vst v19;
	v11 =	vsub.f32 $1.500000000e+00, v9;
	v9 =	vmul.f32 v17, v14;
	v14 =	vmul.f32 v18, v16  }
.LBB2_8:
0x106: {  	s15 =	smov.u32 s10  }
0x107: {  	s11 =	sshra.s32 s10, $0x2;
	v16 =	vsub.f32 $1.500000000e+00, v12;
	v19 =	vmul.f32 v13, v7;
	v17 =	vld [tilespmem:s13+$0x15C00];
	s28 =	sadd.s32 $0x1, s28;
	v12 =	vmul.f32 v15, v8;
	s15 =	sadd.s32 $0x40, s10  }
0x108: {  	p0 =	sne.s32 s10, $0x9FC0;
	v8 =	vshra.s32 v10, $0x1;
	p1 =	slt.u32 s1, $0x2710;
	v13 =	vmul.f32 v9, v4;
	v4 =	vmovc v3;
	v3 =	vmovc v2;
	v2 =	vmul.f32 $5.000000000e-01, v10;
	s1 =	smov.u32 s28;
	v15 =	vld [tilespmem:s11+$0x13400];
	[tilespmem:s24+$0x1AC00] =	vst v14  }
0x109: {  	v18 =	vmul.f32 v6, v11;
	v6 =	vsub.s32 $0x5F3759DF, v8;
	v7 =	vmovc v9;
	v8 =	vpsel !p1, $0x0, v19;
	[tilespmem:s24+$0x18400] =	vst v12;
	s24 =	smov.u32 s13;
	s13 =	smov.u32 s26;
	s26 =	smov.u32 s8  }
.Ltmp5:
0x10a: {  	v9 =	vmul.f32 v6, v2;
	v10 =	vmul.f32 v13, v7;
	s8 =	smov.u32 s7;
	s7 =	smov.u32 s12;
	(pc) =	sbr.rel @p0 .LBB2_8-.Ltmp5, $4  }
0x10b: {  	v11 =	vmul.f32 v18, v3;
	v14 =	vmul.f32 $1.000000010e-01, v8;
	s12 =	smov.u32 s11  }
0x10c: {  	v9 =	vmul.f32 v6, v9;
	v13 =	vsub.f32 $1.500000000e+00, v10;
	v19 =	vmul.f32 v8, v17  }
0x10d: {  	v12 =	vmul.f32 v11, v18;
	v10 =	vadd.f32 $1.000000000e+00, v15;
	v15 =	vmul.f32 $8.999999760e-01, v8  }
0x10e: {  	s10 =	smov.u32 s15;
	v14 =	vmul.f32 v14, v17;
	v11 =	vsub.f32 $1.500000000e+00, v9;
	v9 =	vmul.f32 v16, v5;
	v5 =	vmovc v18;
	[tilespmem:s24+$0x15C00] =	vst v19  }
0x10f: {  	v16 =	vld [tilespmem:s13+$0x15C00];
	_ =	sdelay $0x1  }
0x110: {  	v7 =	vmul.f32 v13, v7  }
0x111: {  	p0 =	slt.u32 s1, $0x2710  }
0x112: {  	v8 =	vmul.f32 v15, v8;
	v4 =	vmul.f32 v9, v4;
	v7 =	vpsel !p0, $0x0, v7  }
0x113: {  	v33 =	vmul.f32 $5.000000000e-01, v10;
	[tilespmem:s24+$0x1AC00] =	vst v14;
	v34 =	vmul.f32 v7, v16  }
0x114: {  	v35 =	vshra.s32 v10, $0x1;
	v36 =	vsub.f32 $1.500000000e+00, v12;
	[tilespmem:s24+$0x18400] =	vst v8;
	v4 =	vmul.f32 v4, v9  }
0x115: {  	v6 =	vmul.f32 v6, v11;
	v10 =	vsub.s32 $0x5F3759DF, v35;
	[tilespmem:s13+$0x15C00] =	vst v34  }
0x116: {  	v37 =	vmul.f32 v10, v33;
	v5 =	vmul.f32 v36, v5;
	v4 =	vsub.f32 $1.500000000e+00, v4;
	v14 =	vld [tilespmem:s26+$0x15C00]  }
0x117: {  	v38 =	vmul.f32 v6, v2;
	v39 =	vmul.f32 $1.000000010e-01, v7  }
0x118: {  	s24 =	sadd.s32 $0x1, s28;
	v17 =	vmul.f32 $8.999999760e-01, v7;
	v4 =	vmul.f32 v4, v9  }
0x119: {  	p3 =	slt.u32 s24, $0x2710;
	v40 =	vmul.f32 v10, v37;
	v41 =	vmul.f32 v39, v16  }
0x11a: {  	v3 =	vmul.f32 v5, v3;
	v7 =	vmul.f32 v17, v7;
	v4 =	vpsel !p3, $0x0, v4  }
0x11b: {  	v43 =	vmul.f32 v38, v6;
	[tilespmem:s13+$0x1AC00] =	vst v41;
	v42 =	vmul.f32 v4, v14  }
0x11c: {  	v8 =	vsub.f32 $1.500000000e+00, v40;
	v3 =	vmul.f32 v3, v5;
	[tilespmem:s13+$0x18400] =	vst v7  }
0x11d: {  	v44 =	vsub.f32 $1.500000000e+00, v43;
	[tilespmem:s26+$0x15C00] =	vst v42  }
0x11e: {  	v8 =	vmul.f32 v10, v8;
	v3 =	vsub.f32 $1.500000000e+00, v3;
	v9 =	vld [tilespmem:s8+$0x15C00]  }
0x11f: {  	v6 =	vmul.f32 v44, v6;
	v45 =	vmul.f32 $1.000000010e-01, v4  }
0x120: {  	s1 =	sadd.s32 $0x1, s24;
	v46 =	vmul.f32 $8.999999760e-01, v4;
	v3 =	vmul.f32 v3, v5  }
0x121: {  	p4 =	slt.u32 s1, $0x2710;
	v47 =	vmul.f32 v8, v33;
	v48 =	vmul.f32 v45, v14  }
0x122: {  	v2 =	vmul.f32 v6, v2;
	v3 =	vpsel !p4, $0x0, v3;
	v4 =	vmul.f32 v46, v4  }
0x123: {  	v5 =	vmul.f32 v47, v8;
	[tilespmem:s26+$0x1AC00] =	vst v48;
	v49 =	vmul.f32 v3, v9  }
0x124: {  	v2 =	vmul.f32 v2, v6;
	[tilespmem:s26+$0x18400] =	vst v4  }
0x125: {  	v50 =	vsub.f32 $1.500000000e+00, v5;
	[tilespmem:s8+$0x15C00] =	vst v49  }
0x126: {  	v2 =	vsub.f32 $1.500000000e+00, v2;
	v51 =	vld [tilespmem:s7+$0x15C00]  }
0x127: {  	v52 =	vmul.f32 $1.000000010e-01, v3;
	v4 =	vmul.f32 v50, v8  }
0x128: {  	s1 =	sadd.s32 $0x1, s1;
	v53 =	vmul.f32 $8.999999760e-01, v3;
	v2 =	vmul.f32 v2, v6  }
0x129: {  	p5 =	slt.u32 s1, $0x2710;
	v55 =	vmul.f32 v4, v33;
	v54 =	vmul.f32 v52, v9  }
0x12a: {  	v2 =	vpsel !p5, $0x0, v2;
	v3 =	vmul.f32 v53, v3  }
0x12b: {  	v56 =	vmul.f32 v55, v4;
	[tilespmem:s8+$0x1AC00] =	vst v54;
	v57 =	vmul.f32 v2, v51  }
0x12c: {  	[tilespmem:s8+$0x18400] =	vst v3  }
0x12d: {  	v3 =	vsub.f32 $1.500000000e+00, v56;
	[tilespmem:s7+$0x15C00] =	vst v57  }
0x12e: {  	v58 =	vld [tilespmem:s12+$0x15C00]  }
0x12f: {  	s1 =	sadd.s32 $0x1, s1;
	v59 =	vmul.f32 $1.000000010e-01, v2;
	v3 =	vmul.f32 v3, v4  }
0x130: {  	p6 =	slt.u32 s1, $0x2710;
	v60 =	vmul.f32 $8.999999760e-01, v2  }
0x131: {  	v3 =	vpsel !p6, $0x0, v3;
	v5 =	vmul.f32 v59, v51  }
0x132: {  	v2 =	vmul.f32 v60, v2;
	v61 =	vmul.f32 $1.000000010e-01, v3  }
0x133: {  	v63 =	vmul.f32 $8.999999760e-01, v3;
	[tilespmem:s7+$0x1AC00] =	vst v5;
	v62 =	vmul.f32 v3, v58  }
0x134: {  	[tilespmem:s7+$0x18400] =	vst v2;
	v2 =	vmul.f32 v61, v58  }
0x135: {  	v3 =	vmul.f32 v63, v3;
	[tilespmem:s12+$0x15C00] =	vst v62  }
0x136: {  	[tilespmem:s12+$0x1AC00] =	vst v2  }
0x137: {  	s28 =	rddreg [dreg:$0x9];
	s26 =	simm.s32 $0x15C00;
	[tilespmem:s12+$0x18400] =	vst v3  }
0x138: {  	[spmem:s28] =	stream.linear.scatter [tilespmem:s26], [sflag:$0x4], $0x2800, $0x38;
	[tilespmem:$0x1D400] =	vst v63  }
0x139: {  	_ =	swait.ge [sflag:s25], $0x2800  }
.Ltmp6:
0x13a: {  	[sflag:s25] =	ssyncset.done $0x0;
	(pc) =	sbr.rel .LBB2_10-.Ltmp6, $4  }
0x13b: {  	[sflag:s25] =	ssyncadd.s32 $0xFFFFD800  }
0x13c: {  	[bflag:$0x0] =	sbarrier.arrive $0xFFFF  }
0x13d: {  	s26 =	rddreg [dreg:$0x8]  }
0x13e: {  	s7 =	simm.s32 $0x0;
	s24 =	rddreg [dreg:$0xd]  }
.LBB2_17:
0x13f: {  	v13 =	vld [tilespmem:s8+$0x15C30]  }
0x140: {  	v14 =	vld [tilespmem:s8+$0x18420]  }
0x141: {  	v8 =	vadd.f32 v12, v8;
	v59 =	vld [tilespmem:s8+$0x18430]  }
0x142: {  	v9 =	vadd.f32 v11, v9;
	v60 =	vld [tilespmem:s8+$0x1AC20]  }
0x143: {  	v7 =	vadd.f32 v10, v7;
	v61 =	vld [tilespmem:s8+$0x1AC30];
	v5 =	vmul.f32 v8, v5  }
0x144: {  	v3 =	vmul.f32 v9, v3;
	v6 =	vadd.f32 v13, v6  }
0x145: {  	v4 =	vadd.f32 v5, v4;
	v62 =	vmul.f32 v7, v14  }
0x146: {  	v2 =	vadd.f32 v3, v2;
	v3 =	vmul.f32 v6, v59  }
0x147: {  	[tilespmem:s8+$0x15C00] =	vst v4;
	v63 =	vadd.f32 v62, v60  }
0x148: {  	[tilespmem:s8+$0x15C10] =	vst v2;
	v2 =	vadd.f32 v3, v61  }
0x149: {  	[tilespmem:s8+$0x15C20] =	vst v63  }
0x14a: {  	[tilespmem:s8+$0x15C30] =	vst v2  }
.LBB2_21:
0x14b: {  	s1 =	simm.s32 $0x15C00;
	s7 =	sadd.s32 $0x1, s7  }
0x14c: {  	[spmem:s28] =	stream.linear.scatter [tilespmem:s1], [sflag:$0x4], $0x2800, $0x38;
	[tilespmem:$0x1D400] =	vst v63  }
0x14d: {  	p0 =	sne.s32 s7, $0xA  }
.Ltmp7:
0x14e: {  	_ =	swait.ge [sflag:s25], $0x2800;
	(pc) =	sbr.rel @!p0 .LBB2_22-.Ltmp7, $3  }
0x14f: {  	[sflag:s25] =	ssyncset.done $0x0  }
0x150: {  	[sflag:s25] =	ssyncadd.s32 $0xFFFFD800  }
0x151: {  	[bflag:$0x0] =	sbarrier.arrive $0xFFFF;
	_ =	sdelay $0x1  }
.LBB2_10:
0x152: {  	s1 =	simm.s32 $0x5000  }
0x153: {  	[tilespmem:s31], [sflag:$0x1] =	stream.indirect.gather [spmem:s3], $0x10, s1, s30, $0xb8;
	[tilespmem:$0x1D400] =	vst v63  }
0x154: {  	s10 =	simm.s32 $0x5080;
	s8 =	simm.s32 $0xF800  }
0x155: {  	[tilespmem:s8], [sflag:$0x1] =	stream.indirect.gather [spmem:s3], $0x10, s10, s30, $0xb8;
	[tilespmem:$0x1D400] =	vst v63  }
.Ltmp8:
0x156: {  	_ = 	snop;
	(pc) =	sbr.rel .LBB2_11-.Ltmp8, $4  }
0x157: {  	s11 =	simm.s32 $0x5100;
	s12 =	simm.s32 $0x10000  }
0x158: {  	[tilespmem:s12], [sflag:$0x1] =	stream.indirect.gather [spmem:s3], $0x10, s11, s30, $0xb8;
	[tilespmem:$0x1D400] =	vst v63  }
0x159: {  	s13 =	simm.s32 $0x5180;
	s15 =	simm.s32 $0x10800;
	s8 =	simm.s32 $0x0  }
0x15a: {  	[tilespmem:s15], [sflag:$0x1] =	stream.indirect.gather [spmem:s3], $0x10, s13, s30, $0xb8;
	[tilespmem:$0x1D400] =	vst v63  }
.LBB2_13:
0x15b: {  	p0 =	seq.s32 s13, $0x1  }
0x15c: {  	p2 =	por !p0, !p2  }
0x15d: {  	s1 =	sshll.u32 @!p2 s12, $0x9  }
0x15e: {  	s1 =	sand.u32 @!p2 $0x3FFFFE00, s1  }
0x15f: {  	s11 =	simm.s32 @!p2 $0x80;
	s15 =	simm.s32 @!p2 $0xF000;
	s10 =	sadd.s32 @!p2 $0x5000, s1  }
0x160: {  	[tilespmem:s15], [sflag:$0x1] =	stream.indirect.gather @!p2 [spmem:s3], $0x10, s10, s11, $0xb8;
	[tilespmem:$0x1D400] =	vst v63  }
0x161: {  	s10 =	sadd.s32 @!p2 $0x5080, s1;
	s15 =	simm.s32 @!p2 $0xF800  }
0x162: {  	[tilespmem:s15], [sflag:$0x1] =	stream.indirect.gather @!p2 [spmem:s3], $0x10, s10, s11, $0xb8;
	[tilespmem:$0x1D400] =	vst v63  }
0x163: {  	s10 =	sadd.s32 @!p2 $0x5100, s1;
	s15 =	simm.s32 @!p2 $0x10000  }
0x164: {  	[tilespmem:s15], [sflag:$0x1] =	stream.indirect.gather @!p2 [spmem:s3], $0x10, s10, s11, $0xb8;
	[tilespmem:$0x1D400] =	vst v63  }
0x165: {  	s1 =	sadd.s32 @!p2 $0x5180, s1;
	s10 =	simm.s32 @!p2 $0x10800  }
0x166: {  	[tilespmem:s10], [sflag:$0x1] =	stream.indirect.gather @!p2 [spmem:s3], $0x10, s1, s11, $0xb8;
	[tilespmem:$0x1D400] =	vst v63  }
0x167: {  	s1 =	simm.s32 @p1 $0x1  }
0x168: {  	_ =	swait.ge @p1 [sflag:s1], $0x800  }
0x169: {  	[sflag:s1] =	ssyncset.done @p1 $0x0  }
0x16a: {  	[sflag:s1] =	ssyncadd.s32 @p1 $0xFFFFF800  }
0x16b: {  	_ =	swait.ge @p1 [sflag:s1], $0x800  }
0x16c: {  	[sflag:s1] =	ssyncset.done @p1 $0x0  }
0x16d: {  	[sflag:s1] =	ssyncadd.s32 @p1 $0xFFFFF800  }
0x16e: {  	_ =	swait.ge @p1 [sflag:s1], $0x800  }
0x16f: {  	[sflag:s1] =	ssyncset.done @p1 $0x0  }
0x170: {  	[sflag:s1] =	ssyncadd.s32 @p1 $0xFFFFF800  }
0x171: {  	_ =	swait.ge @p1 [sflag:s1], $0x800  }
0x172: {  	[sflag:s1] =	ssyncset.done @p1 $0x0  }
0x173: {  	[sflag:s1] =	ssyncadd.s32 @p1 $0xFFFFF800;
	s1 =	simm.s32 @p0 $0x2  }
0x174: {  	_ =	swait.ge @p0 [sflag:s1], $0x800  }
0x175: {  	[sflag:s1] =	ssyncset.done @p0 $0x0  }
0x176: {  	[sflag:s1] =	ssyncadd.s32 @p0 $0xFFFFF800  }
0x177: {  	_ =	swait.ge @p0 [sflag:s1], $0x800  }
0x178: {  	[sflag:s1] =	ssyncset.done @p0 $0x0  }
0x179: {  	[sflag:s1] =	ssyncadd.s32 @p0 $0xFFFFF800  }
0x17a: {  	_ =	swait.ge @p0 [sflag:s1], $0x800  }
0x17b: {  	[sflag:s1] =	ssyncset.done @p0 $0x0  }
0x17c: {  	[sflag:s1] =	ssyncadd.s32 @p0 $0xFFFFF800  }
0x17d: {  	s8 =	sshll.u32 s8, $0x9;
	_ =	swait.ge @p0 [sflag:s1], $0x800  }
0x17e: {  	s8 =	sand.u32 $0x3FFFFE00, s8;
	s10 =	sshll.u32 s13, $0xD;
	[sflag:s1] =	ssyncset.done @p0 $0x0  }
0x17f: {  	s15 =	sadd.s32 $0xA000, s8;
	s13 =	sadd.s32 $0xF000, s10;
	[sflag:s1] =	ssyncadd.s32 @p0 $0xFFFFF800  }
0x180: {  	[spmem:s2] =	stream.indirect.scatter.add.f32 [tilespmem:s13], [sflag:$0x3], $0x10, s15, s30, $0xb8;
	[tilespmem:$0x1D400] =	vst v63  }
0x181: {  	p0 =	slt.u32 s12, $0x28;
	s13 =	sadd.s32 $0xF800, s10;
	s15 =	sadd.s32 $0xA080, s8  }
0x182: {  	[spmem:s2] =	stream.indirect.scatter.add.f32 [tilespmem:s13], [sflag:$0x3], $0x10, s15, s30, $0xb8;
	[tilespmem:$0x1D400] =	vst v63  }
.Ltmp9:
0x183: {  	s11 =	sor.u32 $0x10000, s10;
	s13 =	sadd.s32 $0xA100, s8;
	(pc) =	sbr.rel @!p0 .LBB2_14-.Ltmp9, $4  }
0x184: {  	[spmem:s2] =	stream.indirect.scatter.add.f32 [tilespmem:s11], [sflag:$0x3], $0x10, s13, s30, $0xb8;
	[tilespmem:$0x1D400] =	vst v63  }
0x185: {  	s15 =	sor.u32 $0x10800, s10;
	s8 =	sadd.s32 $0xA180, s8  }
0x186: {  	[spmem:s2] =	stream.indirect.scatter.add.f32 [tilespmem:s15], [sflag:$0x3], $0x10, s8, s30, $0xb8;
	[tilespmem:$0x1D400] =	vst v63  }
0x187: {  	s8 =	smov.u32 s12  }
.LBB2_11:
0x188: {  	p0 =	seq.s32 s8, $0x0  }
0x189: {  	s1 =	simm.s32 @!p0 $0x3  }
0x18a: {  	_ =	swait.ge @!p0 [sflag:s1], $0x800  }
0x18b: {  	[sflag:s1] =	ssyncset.done @!p0 $0x0  }
0x18c: {  	[sflag:s1] =	ssyncadd.s32 @!p0 $0xFFFFF800  }
0x18d: {  	_ =	swait.ge @!p0 [sflag:s1], $0x800  }
0x18e: {  	s13 =	sand.u32 $0x1, s8;
	[sflag:s1] =	ssyncset.done @!p0 $0x0  }
0x18f: {  	p1 =	sne.s32 @!p0 s13, $0x0;
	[sflag:s1] =	ssyncadd.s32 @!p0 $0xFFFFF800  }
0x190: {  	p3 =	por p0, !p1;
	_ =	swait.ge @!p0 [sflag:s1], $0x800  }
.Ltmp10:
0x191: {  	[sflag:s1] =	ssyncset.done @!p0 $0x0;
	(pc) =	sbr.rel @!p3 .LBB2_13-.Ltmp10, $4  }
0x192: {  	[sflag:s1] =	ssyncadd.s32 @!p0 $0xFFFFF800  }
0x193: {  	_ =	swait.ge @!p0 [sflag:s1], $0x800  }
0x194: {  	s12 =	sadd.s32 @!p0 $0x1, s8;
	[sflag:s1] =	ssyncset.done @!p0 $0x0  }
0x195: {  	p2 =	sne.s32 @!p0 s8, $0x27;
	p1 =	por @!p0 $0x0, $0x0;
	[sflag:s1] =	ssyncadd.s32 @!p0 $0xFFFFF800  }
0x196: {  	s12 =	simm.s32 @p0 $0x1  }
0x197: {  	s1 =	sshll.u32 s12, $0x9  }
0x198: {  	s1 =	sand.u32 $0x3FFFFE00, s1  }
0x199: {  	s10 =	sadd.s32 $0x5000, s1  }
0x19a: {  	[tilespmem:s14], [sflag:$0x2] =	stream.indirect.gather [spmem:s3], $0x10, s10, s30, $0xb8;
	[tilespmem:$0x1D400] =	vst v63  }
0x19b: {  	s11 =	sadd.s32 $0x5080, s1  }
0x19c: {  	[tilespmem:s4], [sflag:$0x2] =	stream.indirect.gather [spmem:s3], $0x10, s11, s30, $0xb8;
	[tilespmem:$0x1D400] =	vst v63  }
.Ltmp11:
0x19d: {  	p3 =	por $0x1, $0x1;
	(pc) =	sbr.rel .LBB2_13-.Ltmp11, $4  }
0x19e: {  	p3 =	por @!p0 p2, p2;
	s15 =	sadd.s32 $0x5100, s1  }
0x19f: {  	[tilespmem:s5], [sflag:$0x2] =	stream.indirect.gather [spmem:s3], $0x10, s15, s30, $0xb8;
	[tilespmem:$0x1D400] =	vst v63  }
0x1a0: {  	p1 =	por $0x1, $0x1;
	p2 =	por p3, p3;
	s1 =	sadd.s32 $0x5180, s1  }
0x1a1: {  	[tilespmem:s6], [sflag:$0x2] =	stream.indirect.gather [spmem:s3], $0x10, s1, s30, $0xb8;
	[tilespmem:$0x1D400] =	vst v63  }
.LBB2_14:
0x1a2: {  	_ =	swait.ge [sflag:s0], $0x800  }
0x1a3: {  	[sflag:s0] =	ssyncset.done $0x0  }
0x1a4: {  	[sflag:s0] =	ssyncadd.s32 $0xFFFFF800  }
0x1a5: {  	_ =	swait.ge [sflag:s0], $0x800  }
0x1a6: {  	[sflag:s0] =	ssyncset.done $0x0  }
0x1a7: {  	[sflag:s0] =	ssyncadd.s32 $0xFFFFF800  }
0x1a8: {  	_ =	swait.ge [sflag:s0], $0x800  }
0x1a9: {  	[sflag:s0] =	ssyncset.done $0x0  }
0x1aa: {  	[sflag:s0] =	ssyncadd.s32 $0xFFFFF800  }
0x1ab: {  	_ =	swait.ge [sflag:s0], $0x800  }
0x1ac: {  	[sflag:s0] =	ssyncset.done $0x0  }
0x1ad: {  	[sflag:s0] =	ssyncadd.s32 $0xFFFFF800  }
0x1ae: {  	[bflag:$0x0] =	sbarrier.arrive $0xFFFF  }
0x1af: {  	[tilespmem:s16], [sflag:$0x4] =	stream.linear.gather [spmem:s26], $0x2800, $0x38;
	[tilespmem:$0x1D400] =	vst v63  }
0x1b0: {  	_ =	swait.ge [sflag:s25], $0x2800  }
0x1b1: {  	[sflag:s25] =	ssyncset.done $0x0  }
0x1b2: {  	[sflag:s25] =	ssyncadd.s32 $0xFFFFD800  }
0x1b3: {  	[spmem:s9] =	stream.linear.scatter [tilespmem:s29], [sflag:$0x4], $0x400, $0x38;
	[tilespmem:$0x1D400] =	vst v63  }
0x1b4: {  	_ =	swait.ge [sflag:s25], $0x400  }
0x1b5: {  	[sflag:s25] =	ssyncset.done $0x0  }
0x1b6: {  	[sflag:s25] =	ssyncadd.s32 $0xFFFFFC00  }
0x1b7: {  	[spmem:s24] =	stream.linear.scatter [tilespmem:s29], [sflag:$0x4], $0x400, $0x38;
	[tilespmem:$0x1D400] =	vst v63  }
0x1b8: {  	_ =	swait.ge [sflag:s25], $0x400  }
0x1b9: {  	[sflag:s25] =	ssyncset.done $0x0  }
0x1ba: {  	s1 =	rddreg [dreg:$0xe];
	[sflag:s25] =	ssyncadd.s32 $0xFFFFFC00  }
0x1bb: {  	[spmem:s1] =	stream.linear.scatter [tilespmem:s29], [sflag:$0x4], $0x400, $0x38;
	[tilespmem:$0x1D400] =	vst v63  }
0x1bc: {  	_ =	swait.ge [sflag:s25], $0x400  }
0x1bd: {  	[sflag:s25] =	ssyncset.done $0x0  }
0x1be: {  	[sflag:s25] =	ssyncadd.s32 $0xFFFFFC00  }
0x1bf: {  	[spmem:s17] =	stream.linear.scatter [tilespmem:s29], [sflag:$0x4], $0x400, $0x38;
	[tilespmem:$0x1D400] =	vst v63  }
0x1c0: {  	_ =	swait.ge [sflag:s25], $0x400  }
0x1c1: {  	[sflag:s25] =	ssyncset.done $0x0  }
0x1c2: {  	[sflag:s25] =	ssyncadd.s32 $0xFFFFFC00  }
0x1c3: {  	[spmem:s18] =	stream.linear.scatter [tilespmem:s29], [sflag:$0x4], $0x400, $0x38;
	[tilespmem:$0x1D400] =	vst v63  }
0x1c4: {  	_ =	swait.ge [sflag:s25], $0x400  }
0x1c5: {  	[sflag:s25] =	ssyncset.done $0x0  }
0x1c6: {  	[sflag:s25] =	ssyncadd.s32 $0xFFFFFC00  }
0x1c7: {  	[spmem:s19] =	stream.linear.scatter [tilespmem:s29], [sflag:$0x4], $0x400, $0x38;
	[tilespmem:$0x1D400] =	vst v63  }
0x1c8: {  	_ =	swait.ge [sflag:s25], $0x400  }
0x1c9: {  	[sflag:s25] =	ssyncset.done $0x0  }
0x1ca: {  	[sflag:s25] =	ssyncadd.s32 $0xFFFFFC00  }
0x1cb: {  	[spmem:s20] =	stream.linear.scatter [tilespmem:s29], [sflag:$0x4], $0x400, $0x38;
	[tilespmem:$0x1D400] =	vst v63  }
0x1cc: {  	_ =	swait.ge [sflag:s25], $0x400  }
0x1cd: {  	[sflag:s25] =	ssyncset.done $0x0  }
0x1ce: {  	[sflag:s25] =	ssyncadd.s32 $0xFFFFFC00  }
0x1cf: {  	[spmem:s21] =	stream.linear.scatter [tilespmem:s29], [sflag:$0x4], $0x400, $0x38;
	[tilespmem:$0x1D400] =	vst v63  }
0x1d0: {  	_ =	swait.ge [sflag:s25], $0x400  }
0x1d1: {  	[sflag:s25] =	ssyncset.done $0x0  }
0x1d2: {  	[sflag:s25] =	ssyncadd.s32 $0xFFFFFC00  }
0x1d3: {  	[spmem:s22] =	stream.linear.scatter [tilespmem:s29], [sflag:$0x4], $0x400, $0x38;
	[tilespmem:$0x1D400] =	vst v63  }
0x1d4: {  	_ =	swait.ge [sflag:s25], $0x400  }
0x1d5: {  	p0 =	seq.s32 s7, $0x9;
	[sflag:s25] =	ssyncset.done $0x0  }
.Ltmp12:
0x1d6: {  	[sflag:s25] =	ssyncadd.s32 $0xFFFFFC00;
	(pc) =	sbr.rel @!p0 .LBB2_15-.Ltmp12, $4  }
0x1d7: {  	[spmem:s23] =	stream.linear.scatter [tilespmem:s29], [sflag:$0x4], $0x400, $0x38;
	[tilespmem:$0x1D400] =	vst v63  }
0x1d8: {  	_ =	swait.ge [sflag:s25], $0x400  }
0x1d9: {  	[sflag:s25] =	ssyncset.done $0x0  }
0x1da: {  	[sflag:s25] =	ssyncadd.s32 $0xFFFFFC00  }
0x1db: {  	s13 =	simm.s32 $0x0  }
0x1dc: {  	v5 =	vld [tilespmem:s13+$0x18400];
	_ =	sdelay $0x4  }
0x1dd: {  	v2 =	vshra.s32 v5, $0x1;
	v4 =	vmul.f32 $5.000000000e-01, v5  }
0x1de: {  	v2 =	vsub.s32 $0x5F3759DF, v2  }
0x1df: {  	v3 =	vmul.f32 v2, v4;
	_ =	sdelay $0x1  }
0x1e0: {  	v3 =	vmul.f32 v2, v3;
	_ =	sdelay $0x1  }
0x1e1: {  	s12 =	simm.s32 $0x10;
	v6 =	vsub.f32 $1.500000000e+00, v3  }
0x1e2: {  	v3 =	vld [tilespmem:s12+$0x18400]  }
0x1e3: {  	v2 =	vmul.f32 v2, v6;
	_ =	sdelay $0x1  }
0x1e4: {  	v6 =	vmul.f32 v2, v4;
	_ =	sdelay $0x1  }
0x1e5: {  	v7 =	vshra.s32 v3, $0x1;
	v9 =	vmul.f32 $5.000000000e-01, v3;
	v6 =	vmul.f32 v6, v2  }
0x1e6: {  	v7 =	vsub.s32 $0x5F3759DF, v7  }
0x1e7: {  	v8 =	vmul.f32 v7, v9;
	v6 =	vsub.f32 $1.500000000e+00, v6;
	_ =	sdelay $0x1  }
0x1e8: {  	v8 =	vmul.f32 v7, v8;
	v6 =	vmul.f32 v6, v2  }
0x1e9: {  	s8 =	simm.s32 $0x20  }
0x1ea: {  	v2 =	vld [tilespmem:s8+$0x18400];
	v8 =	vsub.f32 $1.500000000e+00, v8;
	v4 =	vmul.f32 v6, v4  }
0x1eb: {  	v10 =	vld [tilespmem:s13+$0x1AC00]  }
0x1ec: {  	v11 =	vld [tilespmem:s13+$0x13400];
	v8 =	vmul.f32 v7, v8;
	v4 =	vmul.f32 v4, v6  }
0x1ed: {  	v12 =	vld [tilespmem:s13+$0x15C00]  }
0x1ee: {  	v7 =	vmul.f32 v8, v9;
	v13 =	vsub.f32 $1.500000000e+00, v4  }
0x1ef: {  	v5 =	vmul.f32 $9.486833210e-01, v5;
	v14 =	vshra.s32 v2, $0x1;
	v4 =	vmul.f32 $5.000000000e-01, v2  }
0x1f0: {  	v15 =	vmul.f32 v7, v8;
	v7 =	vsub.s32 $0x5F3759DF, v14;
	v13 =	vmul.f32 v13, v6  }
0x1f1: {  	v10 =	vmul.f32 $9.486833210e-01, v10;
	v6 =	vmul.f32 v7, v4  }
0x1f2: {  	v11 =	vadd.f32 v12, v11;
	v62 =	vsub.f32 $1.500000000e+00, v15;
	v5 =	vmul.f32 v13, v5  }
0x1f3: {  	v63 =	vmul.f32 v7, v6;
	v13 =	vmul.f32 v13, v10  }
0x1f4: {  	v6 =	vmul.f32 v62, v8;
	v11 =	vmul.f32 v5, v11  }
0x1f5: {  	s24 =	simm.s32 $0x30;
	v8 =	vsub.f32 $1.500000000e+00, v63  }
0x1f6: {  	s1 =	simm.s32 $0x100;
	v5 =	vld [tilespmem:s24+$0x18400];
	v10 =	vmul.f32 v6, v9;
	v9 =	vadd.f32 v11, v13  }
.LBB2_19:
0x1f7: {  	p0 =	sne.s32 s1, $0x9FC0;
	v8 =	vmul.f32 v7, v8;
	v11 =	vld [tilespmem:s12+$0x1AC00]  }
0x1f8: {  	v7 =	vmul.f32 v10, v6;
	v10 =	vld [tilespmem:s12+$0x13400];
	[tilespmem:s13+$0x15C00] =	vst v9;
	s13 =	smov.u32 s12;
	s12 =	smov.u32 s8;
	s8 =	smov.u32 s24  }
0x1f9: {  	v9 =	vmul.f32 v8, v4;
	v12 =	vld [tilespmem:s13+$0x15C00]  }
0x1fa: {  	v13 =	vsub.f32 $1.500000000e+00, v7  }
0x1fb: {  	v7 =	vshra.s32 v5, $0x1;
	v14 =	vmul.f32 $5.000000000e-01, v5;
	v9 =	vmul.f32 v9, v8  }
0x1fc: {  	v7 =	vsub.s32 $0x5F3759DF, v7;
	v13 =	vmul.f32 v13, v6;
	v6 =	vmul.f32 $9.486833210e-01, v3;
	v3 =	vmovc v2;
	v2 =	vmovc v5  }
0x1fd: {  	v5 =	vmul.f32 v7, v14;
	v9 =	vsub.f32 $1.500000000e+00, v9  }
.Ltmp13:
0x1fe: {  	v11 =	vmul.f32 $9.486833210e-01, v11;
	v15 =	vmul.f32 v13, v6;
	v10 =	vadd.f32 v12, v10;
	(pc) =	sbr.rel @p0 .LBB2_19-.Ltmp13, $4  }
0x1ff: {  	v5 =	vmul.f32 v7, v5;
	v6 =	vmul.f32 v9, v8  }
0x200: {  	v9 =	vmul.f32 v13, v11;
	v11 =	vmul.f32 v15, v10  }
0x201: {  	s24 =	sshra.s32 s1, $0x2;
	v8 =	vsub.f32 $1.500000000e+00, v5  }
0x202: {  	s1 =	sadd.s32 $0x40, s1;
	v10 =	vmul.f32 v6, v4;
	v4 =	vmov v14;
	v5 =	vld [tilespmem:s24+$0x18400];
	v9 =	vadd.f32 v11, v9  }
0x203: {  	v11 =	vld [tilespmem:s12+$0x1AC00]  }
0x204: {  	v7 =	vmul.f32 v7, v8;
	v50 =	vld [tilespmem:s12+$0x13400];
	v10 =	vmul.f32 v10, v6;
	[tilespmem:s13+$0x15C00] =	vst v9  }
0x205: {  	v12 =	vld [tilespmem:s12+$0x15C00]  }
0x206: {  	v51 =	vmul.f32 v7, v4;
	v10 =	vsub.f32 $1.500000000e+00, v10  }
0x207: {  	v3 =	vmul.f32 $9.486833210e-01, v3;
	v13 =	vshra.s32 v5, $0x1;
	v14 =	vmul.f32 $5.000000000e-01, v5  }
0x208: {  	v9 =	vmul.f32 v51, v7;
	v13 =	vsub.s32 $0x5F3759DF, v13;
	v52 =	vmul.f32 v10, v6  }
0x209: {  	v11 =	vmul.f32 $9.486833210e-01, v11;
	v53 =	vmul.f32 v13, v14  }
0x20a: {  	v9 =	vsub.f32 $1.500000000e+00, v9;
	v3 =	vmul.f32 v52, v3;
	v8 =	vadd.f32 v12, v50  }
0x20b: {  	v6 =	vmul.f32 v52, v11;
	v10 =	vmul.f32 v13, v53  }
0x20c: {  	v7 =	vmul.f32 v9, v7;
	v3 =	vmul.f32 v3, v8;
	_ =	sdelay $0x1  }
0x20d: {  	v54 =	vsub.f32 $1.500000000e+00, v10;
	v55 =	vmul.f32 v7, v4;
	v3 =	vadd.f32 v3, v6  }
0x20e: {  	v56 =	vld [tilespmem:s8+$0x1AC00]  }
0x20f: {  	v57 =	vld [tilespmem:s8+$0x13400];
	v8 =	vmul.f32 v13, v54;
	v4 =	vmul.f32 v55, v7;
	[tilespmem:s12+$0x15C00] =	vst v3  }
0x210: {  	v58 =	vld [tilespmem:s8+$0x15C00]  }
0x211: {  	v3 =	vmul.f32 v8, v14;
	v4 =	vsub.f32 $1.500000000e+00, v4  }
0x212: {  	v2 =	vmul.f32 $9.486833210e-01, v2  }
0x213: {  	v3 =	vmul.f32 v3, v8;
	v4 =	vmul.f32 v4, v7  }
0x214: {  	v6 =	vmul.f32 $9.486833210e-01, v56  }
0x215: {  	v3 =	vsub.f32 $1.500000000e+00, v3;
	v2 =	vmul.f32 v4, v2;
	v59 =	vadd.f32 v58, v57  }
0x216: {  	v4 =	vmul.f32 v4, v6  }
0x217: {  	v3 =	vmul.f32 v3, v8;
	v2 =	vmul.f32 v2, v59;
	_ =	sdelay $0x1  }
0x218: {  	v60 =	vmul.f32 v3, v14;
	v2 =	vadd.f32 v2, v4  }
0x219: {  	v61 =	vld [tilespmem:s24+$0x1AC00]  }
0x21a: {  	v62 =	vld [tilespmem:s24+$0x13400];
	v6 =	vmul.f32 v60, v3;
	[tilespmem:s8+$0x15C00] =	vst v2  }
0x21b: {  	v2 =	vld [tilespmem:s24+$0x15C00]  }
0x21c: {  	v6 =	vsub.f32 $1.500000000e+00, v6;
	_ =	sdelay $0x1  }
0x21d: {  	v63 =	vmul.f32 $9.486833210e-01, v5;
	v3 =	vmul.f32 v6, v3;
	_ =	sdelay $0x1  }
0x21e: {  	v4 =	vmul.f32 $9.486833210e-01, v61;
	v5 =	vmul.f32 v3, v63;
	v2 =	vadd.f32 v2, v62;
	_ =	sdelay $0x1  }
.Ltmp14:
0x21f: {  	v3 =	vmul.f32 v3, v4;
	v2 =	vmul.f32 v5, v2;
	(pc) =	sbr.rel .LBB2_21-.Ltmp14, $3  }
0x220: {  	_ = 	snop  }
0x221: {  	v2 =	vadd.f32 v2, v3;
	_ =	sdelay $0x1  }
0x222: {  	[tilespmem:s24+$0x15C00] =	vst v2;
	s24 =	rddreg [dreg:$0xd]  }
.LBB2_15:
0x223: {  	s8 =	simm.s32 $0x0  }
0x224: {  	v4 =	vld [tilespmem:s8+$0x1AC00]  }
0x225: {  	v2 =	vld [tilespmem:s8+$0x1AC10]  }
0x226: {  	v5 =	vld [tilespmem:s8+$0x18400]  }
0x227: {  	v3 =	vld [tilespmem:s8+$0x18410]  }
0x228: {  	v8 =	vld [tilespmem:s8+$0x13400]  }
0x229: {  	v9 =	vld [tilespmem:s8+$0x13410]  }
0x22a: {  	v7 =	vld [tilespmem:s8+$0x13420]  }
0x22b: {  	v6 =	vld [tilespmem:s8+$0x13430]  }
0x22c: {  	v12 =	vld [tilespmem:s8+$0x15C00]  }
0x22d: {  	v11 =	vld [tilespmem:s8+$0x15C10]  }
0x22e: {  	s12 =	simm.s32 $0x100;
	v10 =	vld [tilespmem:s8+$0x15C20]  }
.LBB2_16:
0x22f: {  	p0 =	seq.s32 s12, $0x9F00;
	v13 =	vld [tilespmem:s8+$0x15C30]  }
0x230: {  	v14 =	vld [tilespmem:s8+$0x18420]  }
0x231: {  	v8 =	vadd.f32 v12, v8;
	v12 =	vld [tilespmem:s8+$0x18430]  }
0x232: {  	v9 =	vadd.f32 v11, v9;
	v11 =	vld [tilespmem:s8+$0x1AC20]  }
0x233: {  	s1 =	sshra.s32 s12, $0x2;
	v7 =	vadd.f32 v10, v7;
	v5 =	vmul.f32 v8, v5;
	v10 =	vld [tilespmem:s8+$0x1AC30]  }
0x234: {  	v3 =	vmul.f32 v9, v3;
	v15 =	vld [tilespmem:s1+$0x1AC00];
	v6 =	vadd.f32 v13, v6  }
0x235: {  	v4 =	vadd.f32 v5, v4;
	v13 =	vld [tilespmem:s1+$0x1AC10];
	v7 =	vmul.f32 v7, v14  }
0x236: {  	v2 =	vadd.f32 v3, v2;
	v5 =	vld [tilespmem:s1+$0x18400];
	v6 =	vmul.f32 v6, v12  }
0x237: {  	v3 =	vld [tilespmem:s1+$0x18410];
	[tilespmem:s8+$0x15C00] =	vst v4;
	v7 =	vadd.f32 v7, v11  }
0x238: {  	v8 =	vld [tilespmem:s1+$0x13400];
	[tilespmem:s8+$0x15C10] =	vst v2;
	v6 =	vadd.f32 v6, v10  }
0x239: {  	v9 =	vld [tilespmem:s1+$0x13410];
	[tilespmem:s8+$0x15C20] =	vst v7;
	v4 =	vmov v15  }
.Ltmp15:
0x23a: {  	v7 =	vld [tilespmem:s1+$0x13420];
	[tilespmem:s8+$0x15C30] =	vst v6;
	v2 =	vmov v13;
	s8 =	smov.u32 s1;
	(pc) =	sbr.rel @!p0 .LBB2_16-.Ltmp15, $4  }
0x23b: {  	v6 =	vld [tilespmem:s8+$0x13430]  }
0x23c: {  	v12 =	vld [tilespmem:s8+$0x15C00]  }
0x23d: {  	v11 =	vld [tilespmem:s8+$0x15C10]  }
0x23e: {  	s12 =	sadd.s32 $0x100, s12;
	v10 =	vld [tilespmem:s8+$0x15C20]  }
.Ltmp16:
0x23f: {  	_ = 	snop;
	(pc) =	sbr.rel .LBB2_17-.Ltmp16, $1  }
0x240: {  	_ =	sdelay $0x3  }
.LBB2_23:
0x241: {  	_ =	sfence.sel $0x180000  }
0x242: {  	[bflag:$0x0] =	sbarrier.arrive $0xFFFF  }
0x243: {  	_ =	strace $0x90000047  }
0x244: {  	s0 =	stileid.u32;
	[bflag:$0x2] =	sbarrier.arrive $0xFFFF  }
0x245: {  	p0 =	sne.s32 s0, $0x0;
	s0 =	rddreg [dreg:$0x3]  }
0x246: {  	s0 =	sadd.s32 @!p0 $0x100000, s0  }
0x247: {  	[sflag:s0] =	ssyncadd.tile.s32 @!p0 $0x1;
	_ =	shalt  }
.Lfunc_end2:
_tile_overlayer_lowered:
.L_overlay_start_2:
0x248: {  	(tag) =	ssettag $0x2  }
0x249: {  	s0 =	rddreg [dreg:$0x0];
	s2 =	stileid.u32  }
0x24a: {  	s1 =	rddreg [dreg:$0x1];
	p0 =	sne.s32 s2, $0x0  }
0x24b: {  	s3 =	rddreg [dreg:$0x2];
	[bflag:$0x3] =	sbarrier.arrive $0xFFFF;
	s2 =	simm.s32 @!p0 $0x1C04  }
0x24c: {  	[timem:s3], [sflag:s2] =	dma.local @!p0 [hbm:s0], s1  }
0x24d: {  	s0 =	simm.s32 @!p0 $0x4  }
0x24e: {  	_ =	swait.ge @!p0 [sflag:s0], s1  }
0x24f: {  	s1 =	ssub.s32 @!p0 $0x0, s1;
	[sflag:s0] =	ssyncset.done @!p0 $0x0  }
0x250: {  	[sflag:s0] =	ssyncadd.s32 @!p0 s1  }
0x251: {  	[bflag:$0x3] =	sbarrier.arrive $0xFFFF  }
0x252: {  	_ =	shalt  }

</sc_bundles>
